<compile_context>
chip_gen: v7x
topology: tpu7x:2x2x1
jax: 0.10.2.dev20260603
libtpu: 0.0.44.dev20260713+nightly
codegen_flags: <defaults>
</compile_context>

<pallas_src>
import functools

import jax
import jax.numpy as jnp
import numpy as np
from jax import lax
from jax.experimental import pallas as pl
from jax.experimental.pallas import tpu as pltpu
from jax.experimental.pallas import tpu_sc as plsc

DIM = 32
SMOOTHING = np.float32(0.01)
TB = 128


def _gdiff_body(nc, t_per_w, ncols,
                idx_hbm, w_hbm, e_hbm, out_hbm,
                idx_all, iv0, iv1, w0, w1, e0, e1, o0, o1,
                sem_w0, sem_w1, sem_e0, sem_e1):
    wid = lax.axis_index("s") * nc + lax.axis_index("c")
    t_base = pl.multiple_of(wid * t_per_w, t_per_w)
    n_tb = t_per_w // TB
    n_chunks = n_tb * ncols

    iv_bufs = (iv0, iv1)
    w_bufs = (w0, w1)
    e_bufs = (e0, e1)
    o_bufs = (o0, o1)
    sems_w = (sem_w0, sem_w1)
    sems_e = (sem_e0, sem_e1)

    pltpu.sync_copy(idx_hbm.at[pl.ds(t_base, t_per_w)], idx_all)

    lanes = lax.iota(jnp.int32, 16)
    zeros = lanes & jnp.int32(0)
    a0 = lax.shift_right_logical(lanes, 3)
    a1 = a0 + jnp.int32(2)
    r_vec = lanes & jnp.int32(7)

    def fire(c, k):
        tbg = c // ncols
        j = c - tbg * ncols
        t0 = tbg * TB
        jv = zeros + j
        for g in range(TB // 16):
            rv = t0 + g * 16 + lanes
            vals = plsc.load_gather(idx_all, [rv, jv])
            iv_bufs[k][pl.ds(g * 16, 16)] = vals
        pltpu.async_copy(w_hbm.at[iv_bufs[k]], w_bufs[k], sems_w[k])
        pltpu.async_copy(e_hbm.at[iv_bufs[k]], e_bufs[k], sems_e[k])

    def drain(k):
        pltpu.make_async_copy(w_hbm.at[pl.ds(0, TB)], w_bufs[k],
                              sems_w[k]).wait()
        pltpu.make_async_copy(e_hbm.at[pl.ds(0, TB)], e_bufs[k],
                              sems_e[k]).wait()

    half = jnp.float32(0.5)
    three_half = jnp.float32(1.5)
    sign_mask = jnp.int32(-2147483648)

    def compute(k):
        wv, ev, ov = w_bufs[k], e_bufs[k], o_bufs[k]

        @plsc.parallel_loop(0, TB, unroll=2)
        def row_body(tt):
            cv = zeros + tt
            for h, av in ((0, a0), (16, a1)):
                w = wv[tt, pl.ds(h, 16)]
                e = ev[tt, pl.ds(h, 16)]
                e2 = e + SMOOTHING * (w - e)
                p = w * e2
                a = jnp.abs(p)
                bi = lax.bitcast_convert_type(a, jnp.int32)
                bi = 0x5F3759DF - lax.shift_right_logical(bi, 1)
                r = lax.bitcast_convert_type(bi, jnp.float32)
                r = r * (three_half - half * a * r * r)
                mag = a * r
                sb = lax.bitcast_convert_type(w + e2, jnp.int32) & sign_mask
                ob = lax.bitcast_convert_type(mag, jnp.int32) ^ sb
                plsc.store_scatter(ov, [av, r_vec, cv],
                                   lax.bitcast_convert_type(ob, jnp.float32))

    fire(0, 0)

    def pair_body(cp, carry):
        for k in (0, 1):
            c = cp * 2 + k

            @pl.when(c + 1 < n_chunks)
            def _():
                fire(c + 1, 1 - k)

            drain(k)
            compute(k)
            tbg = c // ncols
            j = c - tbg * ncols
            pltpu.sync_copy(
                o_bufs[k],
                out_hbm.at[j, :, wid * n_tb + tbg])
        return carry

    lax.fori_loop(0, n_chunks // 2, pair_body, 0)


def kernel(input, weight, weight_ema):
    nrows, ncols = input.shape
    idx2d = input.astype(jnp.int32)
    info = plsc.get_sparse_core_info()
    nc, ns = info.num_cores, info.num_subcores
    nw = nc * ns
    t_per_w = nrows // nw
    assert t_per_w % TB == 0 and ((t_per_w // TB) * ncols) % 2 == 0

    mesh = plsc.VectorSubcoreMesh(core_axis_name="c", subcore_axis_name="s")
    run = pl.kernel(
        functools.partial(_gdiff_body, nc, t_per_w, ncols),
        mesh=mesh,
        compiler_params=pltpu.CompilerParams(use_tc_tiling_on_sc=False,
                                             needs_layout_passes=False),
        out_type=jax.ShapeDtypeStruct(
            (ncols, DIM // 8, nrows // 128, 8, 128), jnp.float32),
        scratch_types=[
            pltpu.VMEM((t_per_w, ncols), jnp.int32),
            pltpu.VMEM((TB,), jnp.int32),
            pltpu.VMEM((TB,), jnp.int32),
            pltpu.VMEM((TB, DIM), jnp.float32),
            pltpu.VMEM((TB, DIM), jnp.float32),
            pltpu.VMEM((TB, DIM), jnp.float32),
            pltpu.VMEM((TB, DIM), jnp.float32),
            pltpu.VMEM((DIM // 8, 8, TB), jnp.float32),
            pltpu.VMEM((DIM // 8, 8, TB), jnp.float32),
            pltpu.SemaphoreType.DMA,
            pltpu.SemaphoreType.DMA,
            pltpu.SemaphoreType.DMA,
            pltpu.SemaphoreType.DMA,
        ],
    )
    out5 = run(idx2d, weight, weight_ema)
    return out5.transpose(2, 4, 0, 1, 3).reshape(nrows, ncols, DIM)

# --- scband reference (transcript-rebuilt; emitter-appended) ---
"""Pipeline reference for scband-gdiff-embedding-29832842838336 (READ-ONLY COPY).

The authoritative reference and input builder live on the scoring server;
editing this copy changes nothing except your own understanding.
"""

import jax, jax.numpy as jnp
import numpy as np

NUM = 1000000
DIM = 32
SMOOTHING = 0.01


def setup_inputs(seed: int = 0) -> dict:
    key = jax.random.key(seed)
    k1, k2, k3 = jax.random.split(key, 3)
    inp = jax.random.randint(k1, (16384, 50), 0, NUM, dtype=jnp.int64 if jax.config.jax_enable_x64 else jnp.int32)
    weight = jax.random.normal(k2, (NUM, DIM), dtype=jnp.float32)
    # buffer starts as a clone of weight in torch; we use an independent init so the
    # gdiff math (sqrt(|w*w_ema|), sign(w+w_ema)) is actually exercised
    weight_ema = jax.random.normal(k3, (NUM, DIM), dtype=jnp.float32)
    return {"input": inp, "weight": weight, "weight_ema": weight_ema}


def reference(input, weight, weight_ema):
    # training-mode EMA update (no_grad in torch -> stop_gradient here)
    idx = input.ravel()
    new_vals = weight_ema[idx] + SMOOTHING * (weight[idx] - weight_ema[idx])
    weight_ema_upd = jax.lax.stop_gradient(weight_ema.at[idx].set(new_vals))
    # embedding lookups (gather)
    w = jnp.take(weight, input, axis=0)
    w_ema = jnp.take(weight_ema_upd, input, axis=0)
    mag = jnp.sqrt(jnp.abs(w * w_ema))
    sign = jnp.sign(w + w_ema)
    return sign * mag

if __name__ == "__main__":
    import jax
    _d = setup_inputs()
    print(jax.jit(kernel)(*tuple(_d.values())))

</pallas_src>

<mosaic_0001>
#map = affine_map<(d0, d1) -> (0, 0)>
#map1 = affine_map<(d0, d1) -> (0, 0, 0, 0, 0)>
module attributes {stable_mosaic.version = 14 : i64} {
  func.func @_gdiff_body(%arg0: i32, %arg1: i32, %arg2: memref<16384x50xi32, #tpu.memory_space<hbm>>, %arg3: memref<1000000x32xf32, #tpu.memory_space<hbm>>, %arg4: memref<1000000x32xf32, #tpu.memory_space<hbm>>, %arg5: memref<50x4x128x8x128xf32, #tpu.memory_space<hbm>>, %arg6: memref<512x50xi32, #tpu.memory_space<vmem>>, %arg7: memref<128xi32, #tpu.memory_space<vmem>>, %arg8: memref<128xi32, #tpu.memory_space<vmem>>, %arg9: memref<128x32xf32, #tpu.memory_space<vmem>>, %arg10: memref<128x32xf32, #tpu.memory_space<vmem>>, %arg11: memref<128x32xf32, #tpu.memory_space<vmem>>, %arg12: memref<128x32xf32, #tpu.memory_space<vmem>>, %arg13: memref<4x8x128xf32, #tpu.memory_space<vmem>>, %arg14: memref<4x8x128xf32, #tpu.memory_space<vmem>>, %arg15: memref<!tpu.dma_semaphore, #tpu.memory_space<semaphore_mem>>, %arg16: memref<!tpu.dma_semaphore, #tpu.memory_space<semaphore_mem>>, %arg17: memref<!tpu.dma_semaphore, #tpu.memory_space<semaphore_mem>>, %arg18: memref<!tpu.dma_semaphore, #tpu.memory_space<semaphore_mem>>) attributes {dimension_semantics = [#tpu.dimension_semantics<core_parallel>, #tpu.dimension_semantics<subcore_parallel>], iteration_bounds = array<i64: 2, 16>, scalar_prefetch = 0 : i64, scratch_operands = 13 : i64, tpu.core_type = #tpu.core_type<sc_vector_subcore>, window_params = [{transform_indices = #map}, {transform_indices = #map}, {transform_indices = #map}, {transform_indices = #map1}]} {
    %mul3A = arith.constant 2 : i32
    %mul3A_0 = arith.muli %arg1, %mul3A : i32
    %add3A = arith.addi %mul3A_0, %arg0 : i32
    %mul3A_1 = arith.constant 512 : i32
    %mul3A_2 = arith.muli %add3A, %mul3A_1 : i32
    %multiple_of3A = tpu.assume_multiple %mul3A_2, 512 : i32
    "tpu.region"() ({
      %run_scoped3A = tpu.sem_alloc : memref<!tpu.dma_semaphore, #tpu.memory_space<semaphore_mem>>
      %dma_start3A_75 = arith.constant 0 : i32
      %dma_start3A_76 = tpu.memref_slice %arg2[%multiple_of3A, %dma_start3A_75] : memref<16384x50xi32, #tpu.memory_space<hbm>> -> memref<512x50xi32, #tpu.memory_space<hbm>>
      %dma_start3A_77 = arith.constant 0 : i32
      %dma_start3A_78 = tpu.memref_slice %arg2[%multiple_of3A, %dma_start3A_77] : memref<16384x50xi32, #tpu.memory_space<hbm>> -> memref<512x50xi32, #tpu.memory_space<hbm>>
      tpu.enqueue_dma source(%dma_start3A_78 : memref<512x50xi32, #tpu.memory_space<hbm>>) target(%arg6 : memref<512x50xi32, #tpu.memory_space<vmem>>) target_semaphore(%run_scoped3A : memref<!tpu.dma_semaphore, #tpu.memory_space<semaphore_mem>>)
      %dma_wait3A = arith.constant 0 : i32
      %dma_wait3A_79 = tpu.memref_slice %arg2[%multiple_of3A, %dma_wait3A] : memref<16384x50xi32, #tpu.memory_space<hbm>> -> memref<512x50xi32, #tpu.memory_space<hbm>>
      %dma_wait3A_80 = arith.constant 0 : i32
      %dma_wait3A_81 = tpu.memref_slice %arg2[%multiple_of3A, %dma_wait3A_80] : memref<16384x50xi32, #tpu.memory_space<hbm>> -> memref<512x50xi32, #tpu.memory_space<hbm>>
      tpu.wait_dma2 semaphore(%run_scoped3A : memref<!tpu.dma_semaphore, #tpu.memory_space<semaphore_mem>>) src(%dma_wait3A_81 : memref<512x50xi32, #tpu.memory_space<hbm>>) dst(%arg6 : memref<512x50xi32, #tpu.memory_space<vmem>>)
      tpu.yield
    }) : () -> ()
    %iota3A = tpu.iota {dimensions = array<i32: 0>} : vector<16xi32>
    %and3A = arith.constant 0 : i32
    %and3A_3 = vector.broadcast %and3A : i32 to vector<16xi32>
    %and3A_4 = arith.andi %iota3A, %and3A_3 : vector<16xi32>
    %shift_right_logical3A = arith.constant 3 : i32
    %shift_right_logical3A_5 = vector.broadcast %shift_right_logical3A : i32 to vector<16xi32>
    %shift_right_logical3A_6 = arith.shrui %iota3A, %shift_right_logical3A_5 : vector<16xi32>
    %add3A_7 = arith.constant 2 : i32
    %add3A_8 = vector.broadcast %add3A_7 : i32 to vector<16xi32>
    %add3A_9 = arith.addi %shift_right_logical3A_6, %add3A_8 : vector<16xi32>
    %and3A_10 = arith.constant 7 : i32
    %and3A_11 = vector.broadcast %and3A_10 : i32 to vector<16xi32>
    %and3A_12 = arith.andi %iota3A, %and3A_11 : vector<16xi32>
    %add3A_13 = arith.constant 0 : i32
    %add3A_14 = vector.broadcast %add3A_13 : i32 to vector<16xi32>
    %add3A_15 = arith.addi %and3A_4, %add3A_14 : vector<16xi32>
    %add3A_16 = arith.constant 0 : i32
    %add3A_17 = vector.broadcast %add3A_16 : i32 to vector<16xi32>
    %add3A_18 = arith.addi %add3A_17, %iota3A : vector<16xi32>
    %gather3A = tpu.vector_load_idx %arg6[%add3A_18, %add3A_15] : memref<512x50xi32, #tpu.memory_space<vmem>>[vector<16xi32>, vector<16xi32>], vector<16xi32>,
    %swap3A = arith.constant 0 : index
    %swap3A_19 = tpu.vector_load %arg7[%swap3A] {strides = array<i32>} : memref<128xi32, #tpu.memory_space<vmem>>, vector<16xi32>,
    tpu.vector_store %arg7[%swap3A], %gather3A {strides = array<i32>} : memref<128xi32, #tpu.memory_space<vmem>>, vector<16xi32>,
    %add3A_20 = arith.constant 16 : i32
    %add3A_21 = vector.broadcast %add3A_20 : i32 to vector<16xi32>
    %add3A_22 = arith.addi %add3A_21, %iota3A : vector<16xi32>
    %gather3A_23 = tpu.vector_load_idx %arg6[%add3A_22, %add3A_15] : memref<512x50xi32, #tpu.memory_space<vmem>>[vector<16xi32>, vector<16xi32>], vector<16xi32>,
    %swap3A_24 = arith.constant 16 : index
    %swap3A_25 = tpu.vector_load %arg7[%swap3A_24] {strides = array<i32>} : memref<128xi32, #tpu.memory_space<vmem>>, vector<16xi32>,
    tpu.vector_store %arg7[%swap3A_24], %gather3A_23 {strides = array<i32>} : memref<128xi32, #tpu.memory_space<vmem>>, vector<16xi32>,
    %add3A_26 = arith.constant 32 : i32
    %add3A_27 = vector.broadcast %add3A_26 : i32 to vector<16xi32>
    %add3A_28 = arith.addi %add3A_27, %iota3A : vector<16xi32>
    %gather3A_29 = tpu.vector_load_idx %arg6[%add3A_28, %add3A_15] : memref<512x50xi32, #tpu.memory_space<vmem>>[vector<16xi32>, vector<16xi32>], vector<16xi32>,
    %swap3A_30 = arith.constant 32 : index
    %swap3A_31 = tpu.vector_load %arg7[%swap3A_30] {strides = array<i32>} : memref<128xi32, #tpu.memory_space<vmem>>, vector<16xi32>,
    tpu.vector_store %arg7[%swap3A_30], %gather3A_29 {strides = array<i32>} : memref<128xi32, #tpu.memory_space<vmem>>, vector<16xi32>,
    %add3A_32 = arith.constant 48 : i32
    %add3A_33 = vector.broadcast %add3A_32 : i32 to vector<16xi32>
    %add3A_34 = arith.addi %add3A_33, %iota3A : vector<16xi32>
    %gather3A_35 = tpu.vector_load_idx %arg6[%add3A_34, %add3A_15] : memref<512x50xi32, #tpu.memory_space<vmem>>[vector<16xi32>, vector<16xi32>], vector<16xi32>,
    %swap3A_36 = arith.constant 48 : index
    %swap3A_37 = tpu.vector_load %arg7[%swap3A_36] {strides = array<i32>} : memref<128xi32, #tpu.memory_space<vmem>>, vector<16xi32>,
    tpu.vector_store %arg7[%swap3A_36], %gather3A_35 {strides = array<i32>} : memref<128xi32, #tpu.memory_space<vmem>>, vector<16xi32>,
    %add3A_38 = arith.constant 64 : i32
    %add3A_39 = vector.broadcast %add3A_38 : i32 to vector<16xi32>
    %add3A_40 = arith.addi %add3A_39, %iota3A : vector<16xi32>
    %gather3A_41 = tpu.vector_load_idx %arg6[%add3A_40, %add3A_15] : memref<512x50xi32, #tpu.memory_space<vmem>>[vector<16xi32>, vector<16xi32>], vector<16xi32>,
    %swap3A_42 = arith.constant 64 : index
    %swap3A_43 = tpu.vector_load %arg7[%swap3A_42] {strides = array<i32>} : memref<128xi32, #tpu.memory_space<vmem>>, vector<16xi32>,
    tpu.vector_store %arg7[%swap3A_42], %gather3A_41 {strides = array<i32>} : memref<128xi32, #tpu.memory_space<vmem>>, vector<16xi32>,
    %add3A_44 = arith.constant 80 : i32
    %add3A_45 = vector.broadcast %add3A_44 : i32 to vector<16xi32>
    %add3A_46 = arith.addi %add3A_45, %iota3A : vector<16xi32>
    %gather3A_47 = tpu.vector_load_idx %arg6[%add3A_46, %add3A_15] : memref<512x50xi32, #tpu.memory_space<vmem>>[vector<16xi32>, vector<16xi32>], vector<16xi32>,
    %swap3A_48 = arith.constant 80 : index
    %swap3A_49 = tpu.vector_load %arg7[%swap3A_48] {strides = array<i32>} : memref<128xi32, #tpu.memory_space<vmem>>, vector<16xi32>,
    tpu.vector_store %arg7[%swap3A_48], %gather3A_47 {strides = array<i32>} : memref<128xi32, #tpu.memory_space<vmem>>, vector<16xi32>,
    %add3A_50 = arith.constant 96 : i32
    %add3A_51 = vector.broadcast %add3A_50 : i32 to vector<16xi32>
    %add3A_52 = arith.addi %add3A_51, %iota3A : vector<16xi32>
    %gather3A_53 = tpu.vector_load_idx %arg6[%add3A_52, %add3A_15] : memref<512x50xi32, #tpu.memory_space<vmem>>[vector<16xi32>, vector<16xi32>], vector<16xi32>,
    %swap3A_54 = arith.constant 96 : index
    %swap3A_55 = tpu.vector_load %arg7[%swap3A_54] {strides = array<i32>} : memref<128xi32, #tpu.memory_space<vmem>>, vector<16xi32>,
    tpu.vector_store %arg7[%swap3A_54], %gather3A_53 {strides = array<i32>} : memref<128xi32, #tpu.memory_space<vmem>>, vector<16xi32>,
    %add3A_56 = arith.constant 112 : i32
    %add3A_57 = vector.broadcast %add3A_56 : i32 to vector<16xi32>
    %add3A_58 = arith.addi %add3A_57, %iota3A : vector<16xi32>
    %gather3A_59 = tpu.vector_load_idx %arg6[%add3A_58, %add3A_15] : memref<512x50xi32, #tpu.memory_space<vmem>>[vector<16xi32>, vector<16xi32>], vector<16xi32>,
    %swap3A_60 = arith.constant 112 : index
    %swap3A_61 = tpu.vector_load %arg7[%swap3A_60] {strides = array<i32>} : memref<128xi32, #tpu.memory_space<vmem>>, vector<16xi32>,
    tpu.vector_store %arg7[%swap3A_60], %gather3A_59 {strides = array<i32>} : memref<128xi32, #tpu.memory_space<vmem>>, vector<16xi32>,
    %dma_start3A = arith.constant 0 : i32
    %dma_start3A_62 = arith.constant 0 : i32
    %dma_start3A_63 = tpu.memref_slice %arg3[%dma_start3A, %dma_start3A_62] : memref<1000000x32xf32, #tpu.memory_space<hbm>> -> memref<1000000x32xf32, #tpu.memory_space<hbm>>
    tpu.enqueue_indirect_dma source(%dma_start3A_63 : memref<1000000x32xf32, #tpu.memory_space<hbm>>) target(%arg9 : memref<128x32xf32, #tpu.memory_space<vmem>>) offsets(%arg7 : memref<128xi32, #tpu.memory_space<vmem>>) semaphore(%arg15 : memref<!tpu.dma_semaphore, #tpu.memory_space<semaphore_mem>>)
    %dma_start3A_64 = arith.constant 0 : i32
    %dma_start3A_65 = arith.constant 0 : i32
    %dma_start3A_66 = tpu.memref_slice %arg4[%dma_start3A_64, %dma_start3A_65] : memref<1000000x32xf32, #tpu.memory_space<hbm>> -> memref<1000000x32xf32, #tpu.memory_space<hbm>>
    tpu.enqueue_indirect_dma source(%dma_start3A_66 : memref<1000000x32xf32, #tpu.memory_space<hbm>>) target(%arg11 : memref<128x32xf32, #tpu.memory_space<vmem>>) offsets(%arg7 : memref<128xi32, #tpu.memory_space<vmem>>) semaphore(%arg17 : memref<!tpu.dma_semaphore, #tpu.memory_space<semaphore_mem>>)
    %scan3A = arith.constant 0 : i32
    %scan3A_67 = arith.constant 5.000000e-01 : f32
    %scan3A_68 = arith.constant 1.500000e+00 : f32
    %scan3A_69 = arith.constant -2147483648 : i32
    %scan3A_70 = arith.constant 0 : i32
    %scan3A_71 = arith.constant 100 : i32
    %scan3A_72 = arith.addi %scan3A_70, %scan3A_71 : i32
    %scan3A_73 = arith.constant 1 : i32
    scf.for %scan3A_75 = %scan3A_70 to %scan3A_72 step %scan3A_73  : i32 {
      %mul3A_76 = arith.constant 2 : i32
      %mul3A_77 = arith.muli %scan3A_75, %mul3A_76 : i32
      %add3A_78 = arith.constant 0 : i32
      %add3A_79 = arith.addi %mul3A_77, %add3A_78 : i32
      %add3A_80 = arith.constant 1 : i32
      %add3A_81 = arith.addi %add3A_79, %add3A_80 : i32
      %lt3A = arith.constant 200 : i32
      %lt3A_82 = arith.cmpi slt, %add3A_81, %lt3A : i32
      %convert_element_type3A = arith.extui %lt3A_82 : i1 to i32
      %cond3A = arith.constant 0 : i32
      %cond3A_83 = arith.cmpi ne, %convert_element_type3A, %cond3A : i32
      scf.if %cond3A_83 {
        %add3A_176 = arith.constant 1 : i32
        %add3A_177 = arith.addi %add3A_79, %add3A_176 : i32
        %jit3A_178 = arith.constant 50 : i32
        %div3A_179 = arith.divsi %add3A_177, %jit3A_178 : i32
        %sign3A_180 = arith.constant 0 : i32
        %sign3A_181 = arith.cmpi sgt, %add3A_177, %sign3A_180 : i32
        %sign3A_182 = arith.extui %sign3A_181 : i1 to i32
        %sign3A_183 = arith.constant 0 : i32
        %sign3A_184 = arith.cmpi slt, %add3A_177, %sign3A_183 : i32
        %sign3A_185 = arith.extui %sign3A_184 : i1 to i32
        %sign3A_186 = arith.subi %sign3A_182, %sign3A_185 : i32
        %sign3A_187 = arith.constant 0 : i32
        %sign3A_188 = arith.cmpi sgt, %jit3A_178, %sign3A_187 : i32
        %sign3A_189 = arith.extui %sign3A_188 : i1 to i32
        %sign3A_190 = arith.constant 0 : i32
        %sign3A_191 = arith.cmpi slt, %jit3A_178, %sign3A_190 : i32
        %sign3A_192 = arith.extui %sign3A_191 : i1 to i32
        %sign3A_193 = arith.subi %sign3A_189, %sign3A_192 : i32
        %ne3A_194 = arith.cmpi ne, %sign3A_186, %sign3A_193 : i32
        %rem3A_195 = arith.remsi %add3A_177, %jit3A_178 : i32
        %ne3A_196 = arith.constant 0 : i32
        %ne3A_197 = arith.cmpi ne, %rem3A_195, %ne3A_196 : i32
        %and3A_198 = arith.andi %ne3A_194, %ne3A_197 : i1
        %sub3A_199 = arith.constant 1 : i32
        %sub3A_200 = arith.subi %div3A_179, %sub3A_199 : i32
        %select_n3A_201 = arith.select %and3A_198, %sub3A_200, %div3A_179 : i32
        %mul3A_202 = arith.constant 50 : i32
        %mul3A_203 = arith.muli %select_n3A_201, %mul3A_202 : i32
        %sub3A_204 = arith.subi %add3A_177, %mul3A_203 : i32
        %mul3A_205 = arith.constant 128 : i32
        %mul3A_206 = arith.muli %select_n3A_201, %mul3A_205 : i32
        %add3A_207 = vector.broadcast %sub3A_204 : i32 to vector<16xi32>
        %add3A_208 = arith.addi %and3A_4, %add3A_207 : vector<16xi32>
        %add3A_209 = arith.constant 0 : i32
        %add3A_210 = arith.addi %mul3A_206, %add3A_209 : i32
        %add3A_211 = vector.broadcast %add3A_210 : i32 to vector<16xi32>
        %add3A_212 = arith.addi %add3A_211, %iota3A : vector<16xi32>
        %gather3A_213 = tpu.vector_load_idx %arg6[%add3A_212, %add3A_208] : memref<512x50xi32, #tpu.memory_space<vmem>>[vector<16xi32>, vector<16xi32>], vector<16xi32>,
        %swap3A_214 = arith.constant 0 : index
        %swap3A_215 = tpu.vector_load %arg8[%swap3A_214] {strides = array<i32>} : memref<128xi32, #tpu.memory_space<vmem>>, vector<16xi32>,
        tpu.vector_store %arg8[%swap3A_214], %gather3A_213 {strides = array<i32>} : memref<128xi32, #tpu.memory_space<vmem>>, vector<16xi32>,
        %add3A_216 = arith.constant 16 : i32
        %add3A_217 = arith.addi %mul3A_206, %add3A_216 : i32
        %add3A_218 = vector.broadcast %add3A_217 : i32 to vector<16xi32>
        %add3A_219 = arith.addi %add3A_218, %iota3A : vector<16xi32>
        %gather3A_220 = tpu.vector_load_idx %arg6[%add3A_219, %add3A_208] : memref<512x50xi32, #tpu.memory_space<vmem>>[vector<16xi32>, vector<16xi32>], vector<16xi32>,
        %swap3A_221 = arith.constant 16 : index
        %swap3A_222 = tpu.vector_load %arg8[%swap3A_221] {strides = array<i32>} : memref<128xi32, #tpu.memory_space<vmem>>, vector<16xi32>,
        tpu.vector_store %arg8[%swap3A_221], %gather3A_220 {strides = array<i32>} : memref<128xi32, #tpu.memory_space<vmem>>, vector<16xi32>,
        %add3A_223 = arith.constant 32 : i32
        %add3A_224 = arith.addi %mul3A_206, %add3A_223 : i32
        %add3A_225 = vector.broadcast %add3A_224 : i32 to vector<16xi32>
        %add3A_226 = arith.addi %add3A_225, %iota3A : vector<16xi32>
        %gather3A_227 = tpu.vector_load_idx %arg6[%add3A_226, %add3A_208] : memref<512x50xi32, #tpu.memory_space<vmem>>[vector<16xi32>, vector<16xi32>], vector<16xi32>,
        %swap3A_228 = arith.constant 32 : index
        %swap3A_229 = tpu.vector_load %arg8[%swap3A_228] {strides = array<i32>} : memref<128xi32, #tpu.memory_space<vmem>>, vector<16xi32>,
        tpu.vector_store %arg8[%swap3A_228], %gather3A_227 {strides = array<i32>} : memref<128xi32, #tpu.memory_space<vmem>>, vector<16xi32>,
        %add3A_230 = arith.constant 48 : i32
        %add3A_231 = arith.addi %mul3A_206, %add3A_230 : i32
        %add3A_232 = vector.broadcast %add3A_231 : i32 to vector<16xi32>
        %add3A_233 = arith.addi %add3A_232, %iota3A : vector<16xi32>
        %gather3A_234 = tpu.vector_load_idx %arg6[%add3A_233, %add3A_208] : memref<512x50xi32, #tpu.memory_space<vmem>>[vector<16xi32>, vector<16xi32>], vector<16xi32>,
        %swap3A_235 = arith.constant 48 : index
        %swap3A_236 = tpu.vector_load %arg8[%swap3A_235] {strides = array<i32>} : memref<128xi32, #tpu.memory_space<vmem>>, vector<16xi32>,
        tpu.vector_store %arg8[%swap3A_235], %gather3A_234 {strides = array<i32>} : memref<128xi32, #tpu.memory_space<vmem>>, vector<16xi32>,
        %add3A_237 = arith.constant 64 : i32
        %add3A_238 = arith.addi %mul3A_206, %add3A_237 : i32
        %add3A_239 = vector.broadcast %add3A_238 : i32 to vector<16xi32>
        %add3A_240 = arith.addi %add3A_239, %iota3A : vector<16xi32>
        %gather3A_241 = tpu.vector_load_idx %arg6[%add3A_240, %add3A_208] : memref<512x50xi32, #tpu.memory_space<vmem>>[vector<16xi32>, vector<16xi32>], vector<16xi32>,
        %swap3A_242 = arith.constant 64 : index
        %swap3A_243 = tpu.vector_load %arg8[%swap3A_242] {strides = array<i32>} : memref<128xi32, #tpu.memory_space<vmem>>, vector<16xi32>,
        tpu.vector_store %arg8[%swap3A_242], %gather3A_241 {strides = array<i32>} : memref<128xi32, #tpu.memory_space<vmem>>, vector<16xi32>,
        %add3A_244 = arith.constant 80 : i32
        %add3A_245 = arith.addi %mul3A_206, %add3A_244 : i32
        %add3A_246 = vector.broadcast %add3A_245 : i32 to vector<16xi32>
        %add3A_247 = arith.addi %add3A_246, %iota3A : vector<16xi32>
        %gather3A_248 = tpu.vector_load_idx %arg6[%add3A_247, %add3A_208] : memref<512x50xi32, #tpu.memory_space<vmem>>[vector<16xi32>, vector<16xi32>], vector<16xi32>,
        %swap3A_249 = arith.constant 80 : index
        %swap3A_250 = tpu.vector_load %arg8[%swap3A_249] {strides = array<i32>} : memref<128xi32, #tpu.memory_space<vmem>>, vector<16xi32>,
        tpu.vector_store %arg8[%swap3A_249], %gather3A_248 {strides = array<i32>} : memref<128xi32, #tpu.memory_space<vmem>>, vector<16xi32>,
        %add3A_251 = arith.constant 96 : i32
        %add3A_252 = arith.addi %mul3A_206, %add3A_251 : i32
        %add3A_253 = vector.broadcast %add3A_252 : i32 to vector<16xi32>
        %add3A_254 = arith.addi %add3A_253, %iota3A : vector<16xi32>
        %gather3A_255 = tpu.vector_load_idx %arg6[%add3A_254, %add3A_208] : memref<512x50xi32, #tpu.memory_space<vmem>>[vector<16xi32>, vector<16xi32>], vector<16xi32>,
        %swap3A_256 = arith.constant 96 : index
        %swap3A_257 = tpu.vector_load %arg8[%swap3A_256] {strides = array<i32>} : memref<128xi32, #tpu.memory_space<vmem>>, vector<16xi32>,
        tpu.vector_store %arg8[%swap3A_256], %gather3A_255 {strides = array<i32>} : memref<128xi32, #tpu.memory_space<vmem>>, vector<16xi32>,
        %add3A_258 = arith.constant 112 : i32
        %add3A_259 = arith.addi %mul3A_206, %add3A_258 : i32
        %add3A_260 = vector.broadcast %add3A_259 : i32 to vector<16xi32>
        %add3A_261 = arith.addi %add3A_260, %iota3A : vector<16xi32>
        %gather3A_262 = tpu.vector_load_idx %arg6[%add3A_261, %add3A_208] : memref<512x50xi32, #tpu.memory_space<vmem>>[vector<16xi32>, vector<16xi32>], vector<16xi32>,
        %swap3A_263 = arith.constant 112 : index
        %swap3A_264 = tpu.vector_load %arg8[%swap3A_263] {strides = array<i32>} : memref<128xi32, #tpu.memory_space<vmem>>, vector<16xi32>,
        tpu.vector_store %arg8[%swap3A_263], %gather3A_262 {strides = array<i32>} : memref<128xi32, #tpu.memory_space<vmem>>, vector<16xi32>,
        %dma_start3A_265 = arith.constant 0 : i32
        %dma_start3A_266 = arith.constant 0 : i32
        %dma_start3A_267 = tpu.memref_slice %arg3[%dma_start3A_265, %dma_start3A_266] : memref<1000000x32xf32, #tpu.memory_space<hbm>> -> memref<1000000x32xf32, #tpu.memory_space<hbm>>
        tpu.enqueue_indirect_dma source(%dma_start3A_267 : memref<1000000x32xf32, #tpu.memory_space<hbm>>) target(%arg10 : memref<128x32xf32, #tpu.memory_space<vmem>>) offsets(%arg8 : memref<128xi32, #tpu.memory_space<vmem>>) semaphore(%arg16 : memref<!tpu.dma_semaphore, #tpu.memory_space<semaphore_mem>>)
        %dma_start3A_268 = arith.constant 0 : i32
        %dma_start3A_269 = arith.constant 0 : i32
        %dma_start3A_270 = tpu.memref_slice %arg4[%dma_start3A_268, %dma_start3A_269] : memref<1000000x32xf32, #tpu.memory_space<hbm>> -> memref<1000000x32xf32, #tpu.memory_space<hbm>>
        tpu.enqueue_indirect_dma source(%dma_start3A_270 : memref<1000000x32xf32, #tpu.memory_space<hbm>>) target(%arg12 : memref<128x32xf32, #tpu.memory_space<vmem>>) offsets(%arg8 : memref<128xi32, #tpu.memory_space<vmem>>) semaphore(%arg18 : memref<!tpu.dma_semaphore, #tpu.memory_space<semaphore_mem>>)
      } else {
      }
      %dma_wait3A = arith.constant 0 : i32
      %dma_wait3A_84 = arith.constant 0 : i32
      %dma_wait3A_85 = tpu.memref_slice %arg3[%dma_wait3A, %dma_wait3A_84] : memref<1000000x32xf32, #tpu.memory_space<hbm>> -> memref<128x32xf32, #tpu.memory_space<hbm>>
      %dma_wait3A_86 = arith.constant 0 : i32
      %dma_wait3A_87 = arith.constant 0 : i32
      %dma_wait3A_88 = tpu.memref_slice %arg3[%dma_wait3A_86, %dma_wait3A_87] : memref<1000000x32xf32, #tpu.memory_space<hbm>> -> memref<128x32xf32, #tpu.memory_space<hbm>>
      tpu.wait_dma2 semaphore(%arg15 : memref<!tpu.dma_semaphore, #tpu.memory_space<semaphore_mem>>) src(%dma_wait3A_88 : memref<128x32xf32, #tpu.memory_space<hbm>>) dst(%arg9 : memref<128x32xf32, #tpu.memory_space<vmem>>)
      %dma_wait3A_89 = arith.constant 0 : i32
      %dma_wait3A_90 = arith.constant 0 : i32
      %dma_wait3A_91 = tpu.memref_slice %arg4[%dma_wait3A_89, %dma_wait3A_90] : memref<1000000x32xf32, #tpu.memory_space<hbm>> -> memref<128x32xf32, #tpu.memory_space<hbm>>
      %dma_wait3A_92 = arith.constant 0 : i32
      %dma_wait3A_93 = arith.constant 0 : i32
      %dma_wait3A_94 = tpu.memref_slice %arg4[%dma_wait3A_92, %dma_wait3A_93] : memref<1000000x32xf32, #tpu.memory_space<hbm>> -> memref<128x32xf32, #tpu.memory_space<hbm>>
      tpu.wait_dma2 semaphore(%arg17 : memref<!tpu.dma_semaphore, #tpu.memory_space<semaphore_mem>>) src(%dma_wait3A_94 : memref<128x32xf32, #tpu.memory_space<hbm>>) dst(%arg11 : memref<128x32xf32, #tpu.memory_space<vmem>>)
      %parallel_loop3A = arith.constant 0 : i32
      %parallel_loop3A_95 = arith.constant 128 : i32
      %parallel_loop3A_96 = arith.constant 1 : i32
      scf.for %parallel_loop3A_176 = %parallel_loop3A to %parallel_loop3A_95 step %parallel_loop3A_96  : i32 {
        %parallel_loop3A_177 = vector.broadcast %parallel_loop3A_176 : i32 to vector<16xi32>
        %parallel_loop3A_178 = arith.addi %and3A_4, %parallel_loop3A_177 : vector<16xi32>
        %parallel_loop3A_179 = arith.index_cast %parallel_loop3A_176 : i32 to index
        %parallel_loop3A_180 = arith.constant 0 : index
        %parallel_loop3A_181 = tpu.vector_load %arg9[%parallel_loop3A_179, %parallel_loop3A_180] {strides = array<i32>} : memref<128x32xf32, #tpu.memory_space<vmem>>, vector<16xf32>,
        %parallel_loop3A_182 = arith.index_cast %parallel_loop3A_176 : i32 to index
        %parallel_loop3A_183 = arith.constant 0 : index
        %parallel_loop3A_184 = tpu.vector_load %arg11[%parallel_loop3A_182, %parallel_loop3A_183] {strides = array<i32>} : memref<128x32xf32, #tpu.memory_space<vmem>>, vector<16xf32>,
        %parallel_loop3A_185 = arith.subf %parallel_loop3A_181, %parallel_loop3A_184 : vector<16xf32>
        %parallel_loop3A_186 = arith.constant 0.00999999977 : f32
        %parallel_loop3A_187 = vector.broadcast %parallel_loop3A_186 : f32 to vector<16xf32>
        %parallel_loop3A_188 = arith.mulf %parallel_loop3A_187, %parallel_loop3A_185 : vector<16xf32>
        %parallel_loop3A_189 = arith.addf %parallel_loop3A_184, %parallel_loop3A_188 : vector<16xf32>
        %parallel_loop3A_190 = arith.mulf %parallel_loop3A_181, %parallel_loop3A_189 : vector<16xf32>
        %parallel_loop3A_191 = math.absf %parallel_loop3A_190 : vector<16xf32>
        %parallel_loop3A_192 = tpu.bitcast %parallel_loop3A_191 : vector<16xf32> -> vector<16xi32>
        %parallel_loop3A_193 = arith.constant 1 : i32
        %parallel_loop3A_194 = vector.broadcast %parallel_loop3A_193 : i32 to vector<16xi32>
        %parallel_loop3A_195 = arith.shrui %parallel_loop3A_192, %parallel_loop3A_194 : vector<16xi32>
        %parallel_loop3A_196 = arith.constant 1597463007 : i32
        %parallel_loop3A_197 = vector.broadcast %parallel_loop3A_196 : i32 to vector<16xi32>
        %parallel_loop3A_198 = arith.subi %parallel_loop3A_197, %parallel_loop3A_195 : vector<16xi32>
        %parallel_loop3A_199 = tpu.bitcast %parallel_loop3A_198 : vector<16xi32> -> vector<16xf32>
        %parallel_loop3A_200 = vector.broadcast %scan3A_67 : f32 to vector<16xf32>
        %parallel_loop3A_201 = arith.mulf %parallel_loop3A_200, %parallel_loop3A_191 : vector<16xf32>
        %parallel_loop3A_202 = arith.mulf %parallel_loop3A_201, %parallel_loop3A_199 : vector<16xf32>
        %parallel_loop3A_203 = arith.mulf %parallel_loop3A_202, %parallel_loop3A_199 : vector<16xf32>
        %parallel_loop3A_204 = vector.broadcast %scan3A_68 : f32 to vector<16xf32>
        %parallel_loop3A_205 = arith.subf %parallel_loop3A_204, %parallel_loop3A_203 : vector<16xf32>
        %parallel_loop3A_206 = arith.mulf %parallel_loop3A_199, %parallel_loop3A_205 : vector<16xf32>
        %parallel_loop3A_207 = arith.mulf %parallel_loop3A_191, %parallel_loop3A_206 : vector<16xf32>
        %parallel_loop3A_208 = arith.addf %parallel_loop3A_181, %parallel_loop3A_189 : vector<16xf32>
        %parallel_loop3A_209 = tpu.bitcast %parallel_loop3A_208 : vector<16xf32> -> vector<16xi32>
        %parallel_loop3A_210 = vector.broadcast %scan3A_69 : i32 to vector<16xi32>
        %parallel_loop3A_211 = arith.andi %parallel_loop3A_209, %parallel_loop3A_210 : vector<16xi32>
        %parallel_loop3A_212 = tpu.bitcast %parallel_loop3A_207 : vector<16xf32> -> vector<16xi32>
        %parallel_loop3A_213 = arith.xori %parallel_loop3A_212, %parallel_loop3A_211 : vector<16xi32>
        %parallel_loop3A_214 = tpu.bitcast %parallel_loop3A_213 : vector<16xi32> -> vector<16xf32>
        tpu.vector_store_idx %arg13[%shift_right_logical3A_6, %and3A_12, %parallel_loop3A_178], %parallel_loop3A_214 : memref<4x8x128xf32, #tpu.memory_space<vmem>>[vector<16xi32>, vector<16xi32>, vector<16xi32>], vector<16xf32>,
        %parallel_loop3A_215 = arith.index_cast %parallel_loop3A_176 : i32 to index
        %parallel_loop3A_216 = arith.constant 16 : index
        %parallel_loop3A_217 = tpu.vector_load %arg9[%parallel_loop3A_215, %parallel_loop3A_216] {strides = array<i32>} : memref<128x32xf32, #tpu.memory_space<vmem>>, vector<16xf32>,
        %parallel_loop3A_218 = arith.index_cast %parallel_loop3A_176 : i32 to index
        %parallel_loop3A_219 = arith.constant 16 : index
        %parallel_loop3A_220 = tpu.vector_load %arg11[%parallel_loop3A_218, %parallel_loop3A_219] {strides = array<i32>} : memref<128x32xf32, #tpu.memory_space<vmem>>, vector<16xf32>,
        %parallel_loop3A_221 = arith.subf %parallel_loop3A_217, %parallel_loop3A_220 : vector<16xf32>
        %parallel_loop3A_222 = arith.constant 0.00999999977 : f32
        %parallel_loop3A_223 = vector.broadcast %parallel_loop3A_222 : f32 to vector<16xf32>
        %parallel_loop3A_224 = arith.mulf %parallel_loop3A_223, %parallel_loop3A_221 : vector<16xf32>
        %parallel_loop3A_225 = arith.addf %parallel_loop3A_220, %parallel_loop3A_224 : vector<16xf32>
        %parallel_loop3A_226 = arith.mulf %parallel_loop3A_217, %parallel_loop3A_225 : vector<16xf32>
        %parallel_loop3A_227 = math.absf %parallel_loop3A_226 : vector<16xf32>
        %parallel_loop3A_228 = tpu.bitcast %parallel_loop3A_227 : vector<16xf32> -> vector<16xi32>
        %parallel_loop3A_229 = arith.constant 1 : i32
        %parallel_loop3A_230 = vector.broadcast %parallel_loop3A_229 : i32 to vector<16xi32>
        %parallel_loop3A_231 = arith.shrui %parallel_loop3A_228, %parallel_loop3A_230 : vector<16xi32>
        %parallel_loop3A_232 = arith.constant 1597463007 : i32
        %parallel_loop3A_233 = vector.broadcast %parallel_loop3A_232 : i32 to vector<16xi32>
        %parallel_loop3A_234 = arith.subi %parallel_loop3A_233, %parallel_loop3A_231 : vector<16xi32>
        %parallel_loop3A_235 = tpu.bitcast %parallel_loop3A_234 : vector<16xi32> -> vector<16xf32>
        %parallel_loop3A_236 = vector.broadcast %scan3A_67 : f32 to vector<16xf32>
        %parallel_loop3A_237 = arith.mulf %parallel_loop3A_236, %parallel_loop3A_227 : vector<16xf32>
        %parallel_loop3A_238 = arith.mulf %parallel_loop3A_237, %parallel_loop3A_235 : vector<16xf32>
        %parallel_loop3A_239 = arith.mulf %parallel_loop3A_238, %parallel_loop3A_235 : vector<16xf32>
        %parallel_loop3A_240 = vector.broadcast %scan3A_68 : f32 to vector<16xf32>
        %parallel_loop3A_241 = arith.subf %parallel_loop3A_240, %parallel_loop3A_239 : vector<16xf32>
        %parallel_loop3A_242 = arith.mulf %parallel_loop3A_235, %parallel_loop3A_241 : vector<16xf32>
        %parallel_loop3A_243 = arith.mulf %parallel_loop3A_227, %parallel_loop3A_242 : vector<16xf32>
        %parallel_loop3A_244 = arith.addf %parallel_loop3A_217, %parallel_loop3A_225 : vector<16xf32>
        %parallel_loop3A_245 = tpu.bitcast %parallel_loop3A_244 : vector<16xf32> -> vector<16xi32>
        %parallel_loop3A_246 = vector.broadcast %scan3A_69 : i32 to vector<16xi32>
        %parallel_loop3A_247 = arith.andi %parallel_loop3A_245, %parallel_loop3A_246 : vector<16xi32>
        %parallel_loop3A_248 = tpu.bitcast %parallel_loop3A_243 : vector<16xf32> -> vector<16xi32>
        %parallel_loop3A_249 = arith.xori %parallel_loop3A_248, %parallel_loop3A_247 : vector<16xi32>
        %parallel_loop3A_250 = tpu.bitcast %parallel_loop3A_249 : vector<16xi32> -> vector<16xf32>
        tpu.vector_store_idx %arg13[%add3A_9, %and3A_12, %parallel_loop3A_178], %parallel_loop3A_250 : memref<4x8x128xf32, #tpu.memory_space<vmem>>[vector<16xi32>, vector<16xi32>, vector<16xi32>], vector<16xf32>,
      } {sc.loop_unroll_factor = 2 : i64, sc.parallel_access}
      %jit3A = arith.constant 50 : i32
      %div3A = arith.divsi %add3A_79, %jit3A : i32
      %sign3A = arith.constant 0 : i32
      %sign3A_97 = arith.cmpi sgt, %add3A_79, %sign3A : i32
      %sign3A_98 = arith.extui %sign3A_97 : i1 to i32
      %sign3A_99 = arith.constant 0 : i32
      %sign3A_100 = arith.cmpi slt, %add3A_79, %sign3A_99 : i32
      %sign3A_101 = arith.extui %sign3A_100 : i1 to i32
      %sign3A_102 = arith.subi %sign3A_98, %sign3A_101 : i32
      %sign3A_103 = arith.constant 0 : i32
      %sign3A_104 = arith.cmpi sgt, %jit3A, %sign3A_103 : i32
      %sign3A_105 = arith.extui %sign3A_104 : i1 to i32
      %sign3A_106 = arith.constant 0 : i32
      %sign3A_107 = arith.cmpi slt, %jit3A, %sign3A_106 : i32
      %sign3A_108 = arith.extui %sign3A_107 : i1 to i32
      %sign3A_109 = arith.subi %sign3A_105, %sign3A_108 : i32
      %ne3A = arith.cmpi ne, %sign3A_102, %sign3A_109 : i32
      %rem3A = arith.remsi %add3A_79, %jit3A : i32
      %ne3A_110 = arith.constant 0 : i32
      %ne3A_111 = arith.cmpi ne, %rem3A, %ne3A_110 : i32
      %and3A_112 = arith.andi %ne3A, %ne3A_111 : i1
      %sub3A = arith.constant 1 : i32
      %sub3A_113 = arith.subi %div3A, %sub3A : i32
      %select_n3A = arith.select %and3A_112, %sub3A_113, %div3A : i32
      %mul3A_114 = arith.constant 50 : i32
      %mul3A_115 = arith.muli %select_n3A, %mul3A_114 : i32
      %sub3A_116 = arith.subi %add3A_79, %mul3A_115 : i32
      %mul3A_117 = arith.constant 4 : i32
      %mul3A_118 = arith.muli %add3A, %mul3A_117 : i32
      %add3A_119 = arith.addi %mul3A_118, %select_n3A : i32
      "tpu.region"() ({
        %run_scoped3A = tpu.sem_alloc : memref<!tpu.dma_semaphore, #tpu.memory_space<semaphore_mem>>
        %dma_start3A_176 = arith.constant 0 : i32
        %dma_start3A_177 = arith.constant 0 : i32
        %dma_start3A_178 = arith.constant 0 : i32
        %dma_start3A_179 = tpu.memref_slice %arg5[%sub3A_116, %dma_start3A_176, %add3A_119, %dma_start3A_177, %dma_start3A_178] : memref<50x4x128x8x128xf32, #tpu.memory_space<hbm>> -> memref<1x4x1x8x128xf32, #tpu.memory_space<hbm>>
        %dma_start3A_180 = tpu.memref_squeeze %dma_start3A_179 : memref<1x4x1x8x128xf32, #tpu.memory_space<hbm>> -> memref<4x8x128xf32, #tpu.memory_space<hbm>>
        %dma_start3A_181 = arith.constant 0 : i32
        %dma_start3A_182 = arith.constant 0 : i32
        %dma_start3A_183 = arith.constant 0 : i32
        %dma_start3A_184 = tpu.memref_slice %arg5[%sub3A_116, %dma_start3A_181, %add3A_119, %dma_start3A_182, %dma_start3A_183] : memref<50x4x128x8x128xf32, #tpu.memory_space<hbm>> -> memref<1x4x1x8x128xf32, #tpu.memory_space<hbm>>
        %dma_start3A_185 = tpu.memref_squeeze %dma_start3A_184 : memref<1x4x1x8x128xf32, #tpu.memory_space<hbm>> -> memref<4x8x128xf32, #tpu.memory_space<hbm>>
        tpu.enqueue_dma source(%arg13 : memref<4x8x128xf32, #tpu.memory_space<vmem>>) target(%dma_start3A_185 : memref<4x8x128xf32, #tpu.memory_space<hbm>>) target_semaphore(%run_scoped3A : memref<!tpu.dma_semaphore, #tpu.memory_space<semaphore_mem>>)
        %dma_wait3A_186 = arith.constant 0 : i32
        %dma_wait3A_187 = arith.constant 0 : i32
        %dma_wait3A_188 = arith.constant 0 : i32
        %dma_wait3A_189 = tpu.memref_slice %arg5[%sub3A_116, %dma_wait3A_186, %add3A_119, %dma_wait3A_187, %dma_wait3A_188] : memref<50x4x128x8x128xf32, #tpu.memory_space<hbm>> -> memref<1x4x1x8x128xf32, #tpu.memory_space<hbm>>
        %dma_wait3A_190 = tpu.memref_squeeze %dma_wait3A_189 : memref<1x4x1x8x128xf32, #tpu.memory_space<hbm>> -> memref<4x8x128xf32, #tpu.memory_space<hbm>>
        %dma_wait3A_191 = arith.constant 0 : i32
        %dma_wait3A_192 = arith.constant 0 : i32
        %dma_wait3A_193 = arith.constant 0 : i32
        %dma_wait3A_194 = tpu.memref_slice %arg5[%sub3A_116, %dma_wait3A_191, %add3A_119, %dma_wait3A_192, %dma_wait3A_193] : memref<50x4x128x8x128xf32, #tpu.memory_space<hbm>> -> memref<1x4x1x8x128xf32, #tpu.memory_space<hbm>>
        %dma_wait3A_195 = tpu.memref_squeeze %dma_wait3A_194 : memref<1x4x1x8x128xf32, #tpu.memory_space<hbm>> -> memref<4x8x128xf32, #tpu.memory_space<hbm>>
        tpu.wait_dma2 semaphore(%run_scoped3A : memref<!tpu.dma_semaphore, #tpu.memory_space<semaphore_mem>>) src(%arg13 : memref<4x8x128xf32, #tpu.memory_space<vmem>>) dst(%dma_wait3A_195 : memref<4x8x128xf32, #tpu.memory_space<hbm>>)
        tpu.yield
      }) : () -> ()
      %mul3A_120 = arith.constant 2 : i32
      %mul3A_121 = arith.muli %scan3A_75, %mul3A_120 : i32
      %add3A_122 = arith.constant 1 : i32
      %add3A_123 = arith.addi %mul3A_121, %add3A_122 : i32
      %add3A_124 = arith.constant 1 : i32
      %add3A_125 = arith.addi %add3A_123, %add3A_124 : i32
      %lt3A_126 = arith.constant 200 : i32
      %lt3A_127 = arith.cmpi slt, %add3A_125, %lt3A_126 : i32
      %convert_element_type3A_128 = arith.extui %lt3A_127 : i1 to i32
      %cond3A_129 = arith.constant 0 : i32
      %cond3A_130 = arith.cmpi ne, %convert_element_type3A_128, %cond3A_129 : i32
      scf.if %cond3A_130 {
        %add3A_176 = arith.constant 1 : i32
        %add3A_177 = arith.addi %add3A_123, %add3A_176 : i32
        %jit3A_178 = arith.constant 50 : i32
        %div3A_179 = arith.divsi %add3A_177, %jit3A_178 : i32
        %sign3A_180 = arith.constant 0 : i32
        %sign3A_181 = arith.cmpi sgt, %add3A_177, %sign3A_180 : i32
        %sign3A_182 = arith.extui %sign3A_181 : i1 to i32
        %sign3A_183 = arith.constant 0 : i32
        %sign3A_184 = arith.cmpi slt, %add3A_177, %sign3A_183 : i32
        %sign3A_185 = arith.extui %sign3A_184 : i1 to i32
        %sign3A_186 = arith.subi %sign3A_182, %sign3A_185 : i32
        %sign3A_187 = arith.constant 0 : i32
        %sign3A_188 = arith.cmpi sgt, %jit3A_178, %sign3A_187 : i32
        %sign3A_189 = arith.extui %sign3A_188 : i1 to i32
        %sign3A_190 = arith.constant 0 : i32
        %sign3A_191 = arith.cmpi slt, %jit3A_178, %sign3A_190 : i32
        %sign3A_192 = arith.extui %sign3A_191 : i1 to i32
        %sign3A_193 = arith.subi %sign3A_189, %sign3A_192 : i32
        %ne3A_194 = arith.cmpi ne, %sign3A_186, %sign3A_193 : i32
        %rem3A_195 = arith.remsi %add3A_177, %jit3A_178 : i32
        %ne3A_196 = arith.constant 0 : i32
        %ne3A_197 = arith.cmpi ne, %rem3A_195, %ne3A_196 : i32
        %and3A_198 = arith.andi %ne3A_194, %ne3A_197 : i1
        %sub3A_199 = arith.constant 1 : i32
        %sub3A_200 = arith.subi %div3A_179, %sub3A_199 : i32
        %select_n3A_201 = arith.select %and3A_198, %sub3A_200, %div3A_179 : i32
        %mul3A_202 = arith.constant 50 : i32
        %mul3A_203 = arith.muli %select_n3A_201, %mul3A_202 : i32
        %sub3A_204 = arith.subi %add3A_177, %mul3A_203 : i32
        %mul3A_205 = arith.constant 128 : i32
        %mul3A_206 = arith.muli %select_n3A_201, %mul3A_205 : i32
        %add3A_207 = vector.broadcast %sub3A_204 : i32 to vector<16xi32>
        %add3A_208 = arith.addi %and3A_4, %add3A_207 : vector<16xi32>
        %add3A_209 = arith.constant 0 : i32
        %add3A_210 = arith.addi %mul3A_206, %add3A_209 : i32
        %add3A_211 = vector.broadcast %add3A_210 : i32 to vector<16xi32>
        %add3A_212 = arith.addi %add3A_211, %iota3A : vector<16xi32>
        %gather3A_213 = tpu.vector_load_idx %arg6[%add3A_212, %add3A_208] : memref<512x50xi32, #tpu.memory_space<vmem>>[vector<16xi32>, vector<16xi32>], vector<16xi32>,
        %swap3A_214 = arith.constant 0 : index
        %swap3A_215 = tpu.vector_load %arg7[%swap3A_214] {strides = array<i32>} : memref<128xi32, #tpu.memory_space<vmem>>, vector<16xi32>,
        tpu.vector_store %arg7[%swap3A_214], %gather3A_213 {strides = array<i32>} : memref<128xi32, #tpu.memory_space<vmem>>, vector<16xi32>,
        %add3A_216 = arith.constant 16 : i32
        %add3A_217 = arith.addi %mul3A_206, %add3A_216 : i32
        %add3A_218 = vector.broadcast %add3A_217 : i32 to vector<16xi32>
        %add3A_219 = arith.addi %add3A_218, %iota3A : vector<16xi32>
        %gather3A_220 = tpu.vector_load_idx %arg6[%add3A_219, %add3A_208] : memref<512x50xi32, #tpu.memory_space<vmem>>[vector<16xi32>, vector<16xi32>], vector<16xi32>,
        %swap3A_221 = arith.constant 16 : index
        %swap3A_222 = tpu.vector_load %arg7[%swap3A_221] {strides = array<i32>} : memref<128xi32, #tpu.memory_space<vmem>>, vector<16xi32>,
        tpu.vector_store %arg7[%swap3A_221], %gather3A_220 {strides = array<i32>} : memref<128xi32, #tpu.memory_space<vmem>>, vector<16xi32>,
        %add3A_223 = arith.constant 32 : i32
        %add3A_224 = arith.addi %mul3A_206, %add3A_223 : i32
        %add3A_225 = vector.broadcast %add3A_224 : i32 to vector<16xi32>
        %add3A_226 = arith.addi %add3A_225, %iota3A : vector<16xi32>
        %gather3A_227 = tpu.vector_load_idx %arg6[%add3A_226, %add3A_208] : memref<512x50xi32, #tpu.memory_space<vmem>>[vector<16xi32>, vector<16xi32>], vector<16xi32>,
        %swap3A_228 = arith.constant 32 : index
        %swap3A_229 = tpu.vector_load %arg7[%swap3A_228] {strides = array<i32>} : memref<128xi32, #tpu.memory_space<vmem>>, vector<16xi32>,
        tpu.vector_store %arg7[%swap3A_228], %gather3A_227 {strides = array<i32>} : memref<128xi32, #tpu.memory_space<vmem>>, vector<16xi32>,
        %add3A_230 = arith.constant 48 : i32
        %add3A_231 = arith.addi %mul3A_206, %add3A_230 : i32
        %add3A_232 = vector.broadcast %add3A_231 : i32 to vector<16xi32>
        %add3A_233 = arith.addi %add3A_232, %iota3A : vector<16xi32>
        %gather3A_234 = tpu.vector_load_idx %arg6[%add3A_233, %add3A_208] : memref<512x50xi32, #tpu.memory_space<vmem>>[vector<16xi32>, vector<16xi32>], vector<16xi32>,
        %swap3A_235 = arith.constant 48 : index
        %swap3A_236 = tpu.vector_load %arg7[%swap3A_235] {strides = array<i32>} : memref<128xi32, #tpu.memory_space<vmem>>, vector<16xi32>,
        tpu.vector_store %arg7[%swap3A_235], %gather3A_234 {strides = array<i32>} : memref<128xi32, #tpu.memory_space<vmem>>, vector<16xi32>,
        %add3A_237 = arith.constant 64 : i32
        %add3A_238 = arith.addi %mul3A_206, %add3A_237 : i32
        %add3A_239 = vector.broadcast %add3A_238 : i32 to vector<16xi32>
        %add3A_240 = arith.addi %add3A_239, %iota3A : vector<16xi32>
        %gather3A_241 = tpu.vector_load_idx %arg6[%add3A_240, %add3A_208] : memref<512x50xi32, #tpu.memory_space<vmem>>[vector<16xi32>, vector<16xi32>], vector<16xi32>,
        %swap3A_242 = arith.constant 64 : index
        %swap3A_243 = tpu.vector_load %arg7[%swap3A_242] {strides = array<i32>} : memref<128xi32, #tpu.memory_space<vmem>>, vector<16xi32>,
        tpu.vector_store %arg7[%swap3A_242], %gather3A_241 {strides = array<i32>} : memref<128xi32, #tpu.memory_space<vmem>>, vector<16xi32>,
        %add3A_244 = arith.constant 80 : i32
        %add3A_245 = arith.addi %mul3A_206, %add3A_244 : i32
        %add3A_246 = vector.broadcast %add3A_245 : i32 to vector<16xi32>
        %add3A_247 = arith.addi %add3A_246, %iota3A : vector<16xi32>
        %gather3A_248 = tpu.vector_load_idx %arg6[%add3A_247, %add3A_208] : memref<512x50xi32, #tpu.memory_space<vmem>>[vector<16xi32>, vector<16xi32>], vector<16xi32>,
        %swap3A_249 = arith.constant 80 : index
        %swap3A_250 = tpu.vector_load %arg7[%swap3A_249] {strides = array<i32>} : memref<128xi32, #tpu.memory_space<vmem>>, vector<16xi32>,
        tpu.vector_store %arg7[%swap3A_249], %gather3A_248 {strides = array<i32>} : memref<128xi32, #tpu.memory_space<vmem>>, vector<16xi32>,
        %add3A_251 = arith.constant 96 : i32
        %add3A_252 = arith.addi %mul3A_206, %add3A_251 : i32
        %add3A_253 = vector.broadcast %add3A_252 : i32 to vector<16xi32>
        %add3A_254 = arith.addi %add3A_253, %iota3A : vector<16xi32>
        %gather3A_255 = tpu.vector_load_idx %arg6[%add3A_254, %add3A_208] : memref<512x50xi32, #tpu.memory_space<vmem>>[vector<16xi32>, vector<16xi32>], vector<16xi32>,
        %swap3A_256 = arith.constant 96 : index
        %swap3A_257 = tpu.vector_load %arg7[%swap3A_256] {strides = array<i32>} : memref<128xi32, #tpu.memory_space<vmem>>, vector<16xi32>,
        tpu.vector_store %arg7[%swap3A_256], %gather3A_255 {strides = array<i32>} : memref<128xi32, #tpu.memory_space<vmem>>, vector<16xi32>,
        %add3A_258 = arith.constant 112 : i32
        %add3A_259 = arith.addi %mul3A_206, %add3A_258 : i32
        %add3A_260 = vector.broadcast %add3A_259 : i32 to vector<16xi32>
        %add3A_261 = arith.addi %add3A_260, %iota3A : vector<16xi32>
        %gather3A_262 = tpu.vector_load_idx %arg6[%add3A_261, %add3A_208] : memref<512x50xi32, #tpu.memory_space<vmem>>[vector<16xi32>, vector<16xi32>], vector<16xi32>,
        %swap3A_263 = arith.constant 112 : index
        %swap3A_264 = tpu.vector_load %arg7[%swap3A_263] {strides = array<i32>} : memref<128xi32, #tpu.memory_space<vmem>>, vector<16xi32>,
        tpu.vector_store %arg7[%swap3A_263], %gather3A_262 {strides = array<i32>} : memref<128xi32, #tpu.memory_space<vmem>>, vector<16xi32>,
        %dma_start3A_265 = arith.constant 0 : i32
        %dma_start3A_266 = arith.constant 0 : i32
        %dma_start3A_267 = tpu.memref_slice %arg3[%dma_start3A_265, %dma_start3A_266] : memref<1000000x32xf32, #tpu.memory_space<hbm>> -> memref<1000000x32xf32, #tpu.memory_space<hbm>>
        tpu.enqueue_indirect_dma source(%dma_start3A_267 : memref<1000000x32xf32, #tpu.memory_space<hbm>>) target(%arg9 : memref<128x32xf32, #tpu.memory_space<vmem>>) offsets(%arg7 : memref<128xi32, #tpu.memory_space<vmem>>) semaphore(%arg15 : memref<!tpu.dma_semaphore, #tpu.memory_space<semaphore_mem>>)
        %dma_start3A_268 = arith.constant 0 : i32
        %dma_start3A_269 = arith.constant 0 : i32
        %dma_start3A_270 = tpu.memref_slice %arg4[%dma_start3A_268, %dma_start3A_269] : memref<1000000x32xf32, #tpu.memory_space<hbm>> -> memref<1000000x32xf32, #tpu.memory_space<hbm>>
        tpu.enqueue_indirect_dma source(%dma_start3A_270 : memref<1000000x32xf32, #tpu.memory_space<hbm>>) target(%arg11 : memref<128x32xf32, #tpu.memory_space<vmem>>) offsets(%arg7 : memref<128xi32, #tpu.memory_space<vmem>>) semaphore(%arg17 : memref<!tpu.dma_semaphore, #tpu.memory_space<semaphore_mem>>)
      } else {
      }
      %dma_wait3A_131 = arith.constant 0 : i32
      %dma_wait3A_132 = arith.constant 0 : i32
      %dma_wait3A_133 = tpu.memref_slice %arg3[%dma_wait3A_131, %dma_wait3A_132] : memref<1000000x32xf32, #tpu.memory_space<hbm>> -> memref<128x32xf32, #tpu.memory_space<hbm>>
      %dma_wait3A_134 = arith.constant 0 : i32
      %dma_wait3A_135 = arith.constant 0 : i32
      %dma_wait3A_136 = tpu.memref_slice %arg3[%dma_wait3A_134, %dma_wait3A_135] : memref<1000000x32xf32, #tpu.memory_space<hbm>> -> memref<128x32xf32, #tpu.memory_space<hbm>>
      tpu.wait_dma2 semaphore(%arg16 : memref<!tpu.dma_semaphore, #tpu.memory_space<semaphore_mem>>) src(%dma_wait3A_136 : memref<128x32xf32, #tpu.memory_space<hbm>>) dst(%arg10 : memref<128x32xf32, #tpu.memory_space<vmem>>)
      %dma_wait3A_137 = arith.constant 0 : i32
      %dma_wait3A_138 = arith.constant 0 : i32
      %dma_wait3A_139 = tpu.memref_slice %arg4[%dma_wait3A_137, %dma_wait3A_138] : memref<1000000x32xf32, #tpu.memory_space<hbm>> -> memref<128x32xf32, #tpu.memory_space<hbm>>
      %dma_wait3A_140 = arith.constant 0 : i32
      %dma_wait3A_141 = arith.constant 0 : i32
      %dma_wait3A_142 = tpu.memref_slice %arg4[%dma_wait3A_140, %dma_wait3A_141] : memref<1000000x32xf32, #tpu.memory_space<hbm>> -> memref<128x32xf32, #tpu.memory_space<hbm>>
      tpu.wait_dma2 semaphore(%arg18 : memref<!tpu.dma_semaphore, #tpu.memory_space<semaphore_mem>>) src(%dma_wait3A_142 : memref<128x32xf32, #tpu.memory_space<hbm>>) dst(%arg12 : memref<128x32xf32, #tpu.memory_space<vmem>>)
      %parallel_loop3A_143 = arith.constant 0 : i32
      %parallel_loop3A_144 = arith.constant 128 : i32
      %parallel_loop3A_145 = arith.constant 1 : i32
      scf.for %parallel_loop3A_176 = %parallel_loop3A_143 to %parallel_loop3A_144 step %parallel_loop3A_145  : i32 {
        %parallel_loop3A_177 = vector.broadcast %parallel_loop3A_176 : i32 to vector<16xi32>
        %parallel_loop3A_178 = arith.addi %and3A_4, %parallel_loop3A_177 : vector<16xi32>
        %parallel_loop3A_179 = arith.index_cast %parallel_loop3A_176 : i32 to index
        %parallel_loop3A_180 = arith.constant 0 : index
        %parallel_loop3A_181 = tpu.vector_load %arg10[%parallel_loop3A_179, %parallel_loop3A_180] {strides = array<i32>} : memref<128x32xf32, #tpu.memory_space<vmem>>, vector<16xf32>,
        %parallel_loop3A_182 = arith.index_cast %parallel_loop3A_176 : i32 to index
        %parallel_loop3A_183 = arith.constant 0 : index
        %parallel_loop3A_184 = tpu.vector_load %arg12[%parallel_loop3A_182, %parallel_loop3A_183] {strides = array<i32>} : memref<128x32xf32, #tpu.memory_space<vmem>>, vector<16xf32>,
        %parallel_loop3A_185 = arith.subf %parallel_loop3A_181, %parallel_loop3A_184 : vector<16xf32>
        %parallel_loop3A_186 = arith.constant 0.00999999977 : f32
        %parallel_loop3A_187 = vector.broadcast %parallel_loop3A_186 : f32 to vector<16xf32>
        %parallel_loop3A_188 = arith.mulf %parallel_loop3A_187, %parallel_loop3A_185 : vector<16xf32>
        %parallel_loop3A_189 = arith.addf %parallel_loop3A_184, %parallel_loop3A_188 : vector<16xf32>
        %parallel_loop3A_190 = arith.mulf %parallel_loop3A_181, %parallel_loop3A_189 : vector<16xf32>
        %parallel_loop3A_191 = math.absf %parallel_loop3A_190 : vector<16xf32>
        %parallel_loop3A_192 = tpu.bitcast %parallel_loop3A_191 : vector<16xf32> -> vector<16xi32>
        %parallel_loop3A_193 = arith.constant 1 : i32
        %parallel_loop3A_194 = vector.broadcast %parallel_loop3A_193 : i32 to vector<16xi32>
        %parallel_loop3A_195 = arith.shrui %parallel_loop3A_192, %parallel_loop3A_194 : vector<16xi32>
        %parallel_loop3A_196 = arith.constant 1597463007 : i32
        %parallel_loop3A_197 = vector.broadcast %parallel_loop3A_196 : i32 to vector<16xi32>
        %parallel_loop3A_198 = arith.subi %parallel_loop3A_197, %parallel_loop3A_195 : vector<16xi32>
        %parallel_loop3A_199 = tpu.bitcast %parallel_loop3A_198 : vector<16xi32> -> vector<16xf32>
        %parallel_loop3A_200 = vector.broadcast %scan3A_67 : f32 to vector<16xf32>
        %parallel_loop3A_201 = arith.mulf %parallel_loop3A_200, %parallel_loop3A_191 : vector<16xf32>
        %parallel_loop3A_202 = arith.mulf %parallel_loop3A_201, %parallel_loop3A_199 : vector<16xf32>
        %parallel_loop3A_203 = arith.mulf %parallel_loop3A_202, %parallel_loop3A_199 : vector<16xf32>
        %parallel_loop3A_204 = vector.broadcast %scan3A_68 : f32 to vector<16xf32>
        %parallel_loop3A_205 = arith.subf %parallel_loop3A_204, %parallel_loop3A_203 : vector<16xf32>
        %parallel_loop3A_206 = arith.mulf %parallel_loop3A_199, %parallel_loop3A_205 : vector<16xf32>
        %parallel_loop3A_207 = arith.mulf %parallel_loop3A_191, %parallel_loop3A_206 : vector<16xf32>
        %parallel_loop3A_208 = arith.addf %parallel_loop3A_181, %parallel_loop3A_189 : vector<16xf32>
        %parallel_loop3A_209 = tpu.bitcast %parallel_loop3A_208 : vector<16xf32> -> vector<16xi32>
        %parallel_loop3A_210 = vector.broadcast %scan3A_69 : i32 to vector<16xi32>
        %parallel_loop3A_211 = arith.andi %parallel_loop3A_209, %parallel_loop3A_210 : vector<16xi32>
        %parallel_loop3A_212 = tpu.bitcast %parallel_loop3A_207 : vector<16xf32> -> vector<16xi32>
        %parallel_loop3A_213 = arith.xori %parallel_loop3A_212, %parallel_loop3A_211 : vector<16xi32>
        %parallel_loop3A_214 = tpu.bitcast %parallel_loop3A_213 : vector<16xi32> -> vector<16xf32>
        tpu.vector_store_idx %arg14[%shift_right_logical3A_6, %and3A_12, %parallel_loop3A_178], %parallel_loop3A_214 : memref<4x8x128xf32, #tpu.memory_space<vmem>>[vector<16xi32>, vector<16xi32>, vector<16xi32>], vector<16xf32>,
        %parallel_loop3A_215 = arith.index_cast %parallel_loop3A_176 : i32 to index
        %parallel_loop3A_216 = arith.constant 16 : index
        %parallel_loop3A_217 = tpu.vector_load %arg10[%parallel_loop3A_215, %parallel_loop3A_216] {strides = array<i32>} : memref<128x32xf32, #tpu.memory_space<vmem>>, vector<16xf32>,
        %parallel_loop3A_218 = arith.index_cast %parallel_loop3A_176 : i32 to index
        %parallel_loop3A_219 = arith.constant 16 : index
        %parallel_loop3A_220 = tpu.vector_load %arg12[%parallel_loop3A_218, %parallel_loop3A_219] {strides = array<i32>} : memref<128x32xf32, #tpu.memory_space<vmem>>, vector<16xf32>,
        %parallel_loop3A_221 = arith.subf %parallel_loop3A_217, %parallel_loop3A_220 : vector<16xf32>
        %parallel_loop3A_222 = arith.constant 0.00999999977 : f32
        %parallel_loop3A_223 = vector.broadcast %parallel_loop3A_222 : f32 to vector<16xf32>
        %parallel_loop3A_224 = arith.mulf %parallel_loop3A_223, %parallel_loop3A_221 : vector<16xf32>
        %parallel_loop3A_225 = arith.addf %parallel_loop3A_220, %parallel_loop3A_224 : vector<16xf32>
        %parallel_loop3A_226 = arith.mulf %parallel_loop3A_217, %parallel_loop3A_225 : vector<16xf32>
        %parallel_loop3A_227 = math.absf %parallel_loop3A_226 : vector<16xf32>
        %parallel_loop3A_228 = tpu.bitcast %parallel_loop3A_227 : vector<16xf32> -> vector<16xi32>
        %parallel_loop3A_229 = arith.constant 1 : i32
        %parallel_loop3A_230 = vector.broadcast %parallel_loop3A_229 : i32 to vector<16xi32>
        %parallel_loop3A_231 = arith.shrui %parallel_loop3A_228, %parallel_loop3A_230 : vector<16xi32>
        %parallel_loop3A_232 = arith.constant 1597463007 : i32
        %parallel_loop3A_233 = vector.broadcast %parallel_loop3A_232 : i32 to vector<16xi32>
        %parallel_loop3A_234 = arith.subi %parallel_loop3A_233, %parallel_loop3A_231 : vector<16xi32>
        %parallel_loop3A_235 = tpu.bitcast %parallel_loop3A_234 : vector<16xi32> -> vector<16xf32>
        %parallel_loop3A_236 = vector.broadcast %scan3A_67 : f32 to vector<16xf32>
        %parallel_loop3A_237 = arith.mulf %parallel_loop3A_236, %parallel_loop3A_227 : vector<16xf32>
        %parallel_loop3A_238 = arith.mulf %parallel_loop3A_237, %parallel_loop3A_235 : vector<16xf32>
        %parallel_loop3A_239 = arith.mulf %parallel_loop3A_238, %parallel_loop3A_235 : vector<16xf32>
        %parallel_loop3A_240 = vector.broadcast %scan3A_68 : f32 to vector<16xf32>
        %parallel_loop3A_241 = arith.subf %parallel_loop3A_240, %parallel_loop3A_239 : vector<16xf32>
        %parallel_loop3A_242 = arith.mulf %parallel_loop3A_235, %parallel_loop3A_241 : vector<16xf32>
        %parallel_loop3A_243 = arith.mulf %parallel_loop3A_227, %parallel_loop3A_242 : vector<16xf32>
        %parallel_loop3A_244 = arith.addf %parallel_loop3A_217, %parallel_loop3A_225 : vector<16xf32>
        %parallel_loop3A_245 = tpu.bitcast %parallel_loop3A_244 : vector<16xf32> -> vector<16xi32>
        %parallel_loop3A_246 = vector.broadcast %scan3A_69 : i32 to vector<16xi32>
        %parallel_loop3A_247 = arith.andi %parallel_loop3A_245, %parallel_loop3A_246 : vector<16xi32>
        %parallel_loop3A_248 = tpu.bitcast %parallel_loop3A_243 : vector<16xf32> -> vector<16xi32>
        %parallel_loop3A_249 = arith.xori %parallel_loop3A_248, %parallel_loop3A_247 : vector<16xi32>
        %parallel_loop3A_250 = tpu.bitcast %parallel_loop3A_249 : vector<16xi32> -> vector<16xf32>
        tpu.vector_store_idx %arg14[%add3A_9, %and3A_12, %parallel_loop3A_178], %parallel_loop3A_250 : memref<4x8x128xf32, #tpu.memory_space<vmem>>[vector<16xi32>, vector<16xi32>, vector<16xi32>], vector<16xf32>,
      } {sc.loop_unroll_factor = 2 : i64, sc.parallel_access}
      %jit3A_146 = arith.constant 50 : i32
      %div3A_147 = arith.divsi %add3A_123, %jit3A_146 : i32
      %sign3A_148 = arith.constant 0 : i32
      %sign3A_149 = arith.cmpi sgt, %add3A_123, %sign3A_148 : i32
      %sign3A_150 = arith.extui %sign3A_149 : i1 to i32
      %sign3A_151 = arith.constant 0 : i32
      %sign3A_152 = arith.cmpi slt, %add3A_123, %sign3A_151 : i32
      %sign3A_153 = arith.extui %sign3A_152 : i1 to i32
      %sign3A_154 = arith.subi %sign3A_150, %sign3A_153 : i32
      %sign3A_155 = arith.constant 0 : i32
      %sign3A_156 = arith.cmpi sgt, %jit3A_146, %sign3A_155 : i32
      %sign3A_157 = arith.extui %sign3A_156 : i1 to i32
      %sign3A_158 = arith.constant 0 : i32
      %sign3A_159 = arith.cmpi slt, %jit3A_146, %sign3A_158 : i32
      %sign3A_160 = arith.extui %sign3A_159 : i1 to i32
      %sign3A_161 = arith.subi %sign3A_157, %sign3A_160 : i32
      %ne3A_162 = arith.cmpi ne, %sign3A_154, %sign3A_161 : i32
      %rem3A_163 = arith.remsi %add3A_123, %jit3A_146 : i32
      %ne3A_164 = arith.constant 0 : i32
      %ne3A_165 = arith.cmpi ne, %rem3A_163, %ne3A_164 : i32
      %and3A_166 = arith.andi %ne3A_162, %ne3A_165 : i1
      %sub3A_167 = arith.constant 1 : i32
      %sub3A_168 = arith.subi %div3A_147, %sub3A_167 : i32
      %select_n3A_169 = arith.select %and3A_166, %sub3A_168, %div3A_147 : i32
      %mul3A_170 = arith.constant 50 : i32
      %mul3A_171 = arith.muli %select_n3A_169, %mul3A_170 : i32
      %sub3A_172 = arith.subi %add3A_123, %mul3A_171 : i32
      %mul3A_173 = arith.constant 4 : i32
      %mul3A_174 = arith.muli %add3A, %mul3A_173 : i32
      %add3A_175 = arith.addi %mul3A_174, %select_n3A_169 : i32
      "tpu.region"() ({
        %run_scoped3A = tpu.sem_alloc : memref<!tpu.dma_semaphore, #tpu.memory_space<semaphore_mem>>
        %dma_start3A_176 = arith.constant 0 : i32
        %dma_start3A_177 = arith.constant 0 : i32
        %dma_start3A_178 = arith.constant 0 : i32
        %dma_start3A_179 = tpu.memref_slice %arg5[%sub3A_172, %dma_start3A_176, %add3A_175, %dma_start3A_177, %dma_start3A_178] : memref<50x4x128x8x128xf32, #tpu.memory_space<hbm>> -> memref<1x4x1x8x128xf32, #tpu.memory_space<hbm>>
        %dma_start3A_180 = tpu.memref_squeeze %dma_start3A_179 : memref<1x4x1x8x128xf32, #tpu.memory_space<hbm>> -> memref<4x8x128xf32, #tpu.memory_space<hbm>>
        %dma_start3A_181 = arith.constant 0 : i32
        %dma_start3A_182 = arith.constant 0 : i32
        %dma_start3A_183 = arith.constant 0 : i32
        %dma_start3A_184 = tpu.memref_slice %arg5[%sub3A_172, %dma_start3A_181, %add3A_175, %dma_start3A_182, %dma_start3A_183] : memref<50x4x128x8x128xf32, #tpu.memory_space<hbm>> -> memref<1x4x1x8x128xf32, #tpu.memory_space<hbm>>
        %dma_start3A_185 = tpu.memref_squeeze %dma_start3A_184 : memref<1x4x1x8x128xf32, #tpu.memory_space<hbm>> -> memref<4x8x128xf32, #tpu.memory_space<hbm>>
        tpu.enqueue_dma source(%arg14 : memref<4x8x128xf32, #tpu.memory_space<vmem>>) target(%dma_start3A_185 : memref<4x8x128xf32, #tpu.memory_space<hbm>>) target_semaphore(%run_scoped3A : memref<!tpu.dma_semaphore, #tpu.memory_space<semaphore_mem>>)
        %dma_wait3A_186 = arith.constant 0 : i32
        %dma_wait3A_187 = arith.constant 0 : i32
        %dma_wait3A_188 = arith.constant 0 : i32
        %dma_wait3A_189 = tpu.memref_slice %arg5[%sub3A_172, %dma_wait3A_186, %add3A_175, %dma_wait3A_187, %dma_wait3A_188] : memref<50x4x128x8x128xf32, #tpu.memory_space<hbm>> -> memref<1x4x1x8x128xf32, #tpu.memory_space<hbm>>
        %dma_wait3A_190 = tpu.memref_squeeze %dma_wait3A_189 : memref<1x4x1x8x128xf32, #tpu.memory_space<hbm>> -> memref<4x8x128xf32, #tpu.memory_space<hbm>>
        %dma_wait3A_191 = arith.constant 0 : i32
        %dma_wait3A_192 = arith.constant 0 : i32
        %dma_wait3A_193 = arith.constant 0 : i32
        %dma_wait3A_194 = tpu.memref_slice %arg5[%sub3A_172, %dma_wait3A_191, %add3A_175, %dma_wait3A_192, %dma_wait3A_193] : memref<50x4x128x8x128xf32, #tpu.memory_space<hbm>> -> memref<1x4x1x8x128xf32, #tpu.memory_space<hbm>>
        %dma_wait3A_195 = tpu.memref_squeeze %dma_wait3A_194 : memref<1x4x1x8x128xf32, #tpu.memory_space<hbm>> -> memref<4x8x128xf32, #tpu.memory_space<hbm>>
        tpu.wait_dma2 semaphore(%run_scoped3A : memref<!tpu.dma_semaphore, #tpu.memory_space<semaphore_mem>>) src(%arg14 : memref<4x8x128xf32, #tpu.memory_space<vmem>>) dst(%dma_wait3A_195 : memref<4x8x128xf32, #tpu.memory_space<hbm>>)
        tpu.yield
      }) : () -> ()
    }
    %scan3A_74 = arith.constant 100 : i32
    return
  }
}

</mosaic_0001>

<sc_bundles>
// kernel: kernel.3.cloned.1.call-start
scs
__scs_entry_jumppad:
0x0: {  	(pc) =	sbr.rel $0x88, $3  }
0x1: {  	(tag) =	ssettag $0x0;
	lr =	simm.s32 $0x1  }
0x2: {  	[smem:$0x3F9E] =	sst lr;
	_ =	strace $0xD0000000  }
0x3: {  	_ = 	snop  }
0x4: {  	_ = 	snop  }
0x5: {  	_ = 	snop  }
0x6: {  	_ = 	snop  }
0x7: {  	_ = 	snop  }
__scs_overlays_trampoline_lowered:
0x8: {  	[smem:$0x3FAD] =	sst s0  }
0x9: {  	[smem:$0x3FAE] =	sst s1  }
0xa: {  	[smem:$0x3FAF] =	sst s2  }
0xb: {  	[smem:$0x3FB0] =	sst s3  }
0xc: {  	[smem:$0x3FB1] =	sst s4  }
0xd: {  	[smem:$0x3FB2] =	sst s5  }
0xe: {  	[smem:$0x3FB3] =	sst s6  }
0xf: {  	[smem:$0x3FB4] =	sst s7  }
0x10: {  	[smem:$0x3FB5] =	sst s8  }
0x11: {  	[smem:$0x3FB6] =	sst s9;
	s0 =	simm.s32 @!p0 $0x0  }
0x12: {  	s1 =	sld [smem:$0x3F9C];
	s0 =	simm.s32 @p0 $0x1  }
0x13: {  	[smem:$0x3FB7] =	sst s0;
	s0 =	simm.s32 @!p1 $0x0  }
0x14: {  	s2 =	sld [smem:$0x3F9B];
	s0 =	simm.s32 @p1 $0x1  }
0x15: {  	[smem:$0x3FB8] =	sst s0;
	s0 =	simm.s32 @!p2 $0x0  }
0x16: {  	s3 =	sld [smem:$0x3FDB];
	s0 =	simm.s32 @p2 $0x1  }
0x17: {  	s4 =	simm.s32 $0x1BF5;
	[smem:$0x3FBA] =	sst s0  }
0x18: {  	s0 =	sld [smem:$0x3F9D];
	_ =	swait.ge [sflag:s4], $0x0  }
0x19: {  	s7 =	sld [smem:$0x3F9E]  }
0x1a: {  	s8 =	sadd.s32 $0xFFFFE003, lr  }
0x1b: {  	s9 =	sadd.s32 $0xFFFFFEF7, lr;
	s5 =	simm.s32 $0xFFFFFFFF;
	p2 =	slt.u32 s8, $0xFFFFF086  }
0x1c: {  	p1 =	slt.u32 s9, $0xF7A;
	s5 =	simm.s32 @!p2 $0x0  }
0x1d: {  	s5 =	simm.s32 @p1 $0x1;
	p0 =	seq.s32 s7, s2  }
0x1e: {  	s7 =	smul.u32 @!p0 $0xF7A, s2;
	p2 =	seq.s32 @!p0 s5, $0x0  }
0x1f: {  	s9 =	smul.u32 $0xF7A, s1;
	s8 =	simm.s32 @!p0 $0x1BF5;
	p2 =	por !p2, p0  }
0x20: {  	[sflag:s8] =	ssyncset.s32 @!p0 $0xFFFFF086;
	s6 =	sadd.s32 @!p0 s3, s7;
	s7 =	simm.s32 @!p0 $0x108  }
0x21: {  	s3 =	sadd.s32 s3, s9;
	s6 =	sadd.s32 @!p0 $0x88, s6;
	s7 =	simm.s32 @p2 $0x1082  }
0x22: {  	[simem:s7], [sflag:s8] =	dma.local @!p0 [hbm:s6], $0xF7A  }
0x23: {  	s9 =	sor.u32 $0xD0000000, s2;
	s6 =	simm.s32 $0x108;
	_ =	swait.ge @!p0 [sflag:s8], $0x0  }
0x24: {  	s3 =	sadd.s32 $0x88, s3;
	s6 =	simm.s32 @!p1 $0x1082;
	[sflag:s4] =	ssyncset.s32 $0xFFFFF086  }
0x25: {  	[simem:s6], [sflag:s4] =	dma.local [hbm:s3], $0xF7A  }
0x26: {  	[smem:$0x3F9E] =	sst s1;
	(tag) =	ssettag s2;
	_ =	strace s9  }
0x27: {  	s1 =	sld [smem:$0x3FAE]  }
0x28: {  	s2 =	sld [smem:$0x3FAF]  }
0x29: {  	s4 =	sld [smem:$0x3FB1]  }
0x2a: {  	p0 =	seq.s32 s5, $0x0;
	s5 =	sld [smem:$0x3FB2]  }
0x2b: {  	s6 =	sld [smem:$0x3FB3]  }
0x2c: {  	s7 =	sld [smem:$0x3FB4]  }
0x2d: {  	s3 =	simm.s32 $0x108;
	s8 =	sld [smem:$0x3FB5]  }
0x2e: {  	s3 =	simm.s32 @!p0 $0x1082;
	s9 =	sld [smem:$0x3FB6]  }
0x2f: {  	lr =	sadd.s32 s0, s3;
	s0 =	sld [smem:$0x3FAD]  }
0x30: {  	s3 =	sld [smem:$0x3FB0]  }
0x31: {  	[smem:$0x3FB9] =	sst s10  }
0x32: {  	s10 =	sld [smem:$0x3FB7];
	_ =	sdelay $0x3  }
0x33: {  	p0 =	seq.s32 s10, $0x1;
	s10 =	sld [smem:$0x3FB9];
	_ =	sdelay $0x3  }
0x34: {  	[smem:$0x3FB9] =	sst s10  }
0x35: {  	s10 =	sld [smem:$0x3FB8];
	_ =	sdelay $0x3  }
0x36: {  	p1 =	seq.s32 s10, $0x1;
	s10 =	sld [smem:$0x3FB9];
	_ =	sdelay $0x3  }
0x37: {  	[smem:$0x3FB9] =	sst s10  }
0x38: {  	s10 =	sld [smem:$0x3FBA]  }
0x39: {  	_ = 	snop;
	(pc) =	sbr.ind lr, $3  }
0x3a: {  	_ = 	snop  }
0x3b: {  	_ = 	snop  }
0x3c: {  	p2 =	seq.s32 s10, $0x1;
	s10 =	sld [smem:$0x3FB9]  }
0x3d: {  	_ =	shalt  }
0x3e: {  	_ =	shalt  }
0x3f: {  	_ =	shalt  }
0x40: {  	_ =	shalt  }
0x41: {  	_ =	shalt  }
0x42: {  	_ =	shalt  }
0x43: {  	_ =	shalt  }
0x44: {  	_ =	shalt  }
0x45: {  	_ =	shalt  }
0x46: {  	_ =	shalt  }
0x47: {  	_ =	shalt  }
0x48: {  	_ =	shalt  }
0x49: {  	_ =	shalt  }
0x4a: {  	_ =	shalt  }
0x4b: {  	_ =	shalt  }
0x4c: {  	_ =	shalt  }
0x4d: {  	_ =	shalt  }
0x4e: {  	_ =	shalt  }
0x4f: {  	_ =	shalt  }
0x50: {  	_ =	shalt  }
0x51: {  	_ =	shalt  }
0x52: {  	_ =	shalt  }
0x53: {  	_ =	shalt  }
0x54: {  	_ =	shalt  }
0x55: {  	_ =	shalt  }
0x56: {  	_ =	shalt  }
0x57: {  	_ =	shalt  }
0x58: {  	_ =	shalt  }
0x59: {  	_ =	shalt  }
0x5a: {  	_ =	shalt  }
0x5b: {  	_ =	shalt  }
0x5c: {  	_ =	shalt  }
0x5d: {  	_ =	shalt  }
0x5e: {  	_ =	shalt  }
0x5f: {  	_ =	shalt  }
0x60: {  	_ =	shalt  }
0x61: {  	_ =	shalt  }
0x62: {  	_ =	shalt  }
0x63: {  	_ =	shalt  }
0x64: {  	_ =	shalt  }
0x65: {  	_ =	shalt  }
0x66: {  	_ =	shalt  }
0x67: {  	_ =	shalt  }
0x68: {  	_ =	shalt  }
0x69: {  	_ =	shalt  }
0x6a: {  	_ =	shalt  }
0x6b: {  	_ =	shalt  }
0x6c: {  	_ =	shalt  }
0x6d: {  	_ =	shalt  }
0x6e: {  	_ =	shalt  }
0x6f: {  	_ =	shalt  }
0x70: {  	_ =	shalt  }
0x71: {  	_ =	shalt  }
0x72: {  	_ =	shalt  }
0x73: {  	_ =	shalt  }
0x74: {  	_ =	shalt  }
0x75: {  	_ =	shalt  }
0x76: {  	_ =	shalt  }
0x77: {  	_ =	shalt  }
0x78: {  	_ =	shalt  }
0x79: {  	_ =	shalt  }
0x7a: {  	_ =	shalt  }
0x7b: {  	_ =	shalt  }
0x7c: {  	_ =	shalt  }
0x7d: {  	_ =	shalt  }
0x7e: {  	_ =	shalt  }
0x7f: {  	_ =	shalt  }
0x80: {  	_ =	shalt  }
0x81: {  	_ =	shalt  }
0x82: {  	_ =	shalt  }
0x83: {  	_ =	shalt  }
0x84: {  	_ =	shalt  }
0x85: {  	_ =	shalt  }
0x86: {  	_ =	shalt  }
0x87: {  	_ =	shalt  }
.Lfunc_end0:
.L_simem_size_0:
called_computation_lowered:
.L_overlay_start_0:
0x88: {  	s2 =	sld [smem:$0x3FD9]  }
0x89: {  	s3 =	sld [smem:$0x3FFE];
	_ =	sdelay $0x1  }
0x8a: {  	s1 =	srdreg.scid  }
0x8b: {  	s0 =	sand.u32 $0x1, s1  }
0x8c: {  	s17 =	sshll.u32 s0, $0xA;
	s2 =	sadd.s32 s3, s2  }
0x8d: {  	s2 =	sadd.s32 s2, s17  }
0x8e: {  	[smem:$0x3FC5] =	sst s2  }
0x8f: {  	_ = 	snop  }
0x90: {  	s2 =	sld [smem:$0x3FD0];
	(tm) =	ssettm $0x1  }
0x91: {  	s18 =	sld [smem:$0x3FFB];
	_ =	sdelay $0x3  }
0x92: {  	_ =	strace s18  }
0x93: {  	s3 =	sld [smem:$0x3FFC];
	_ =	sdelay $0x3  }
0x94: {  	_ =	strace s3  }
0x95: {  	s3 =	sld [smem:$0x3FFD];
	_ =	sdelay $0x3  }
0x96: {  	_ =	strace s3  }
0x97: {  	_ =	strace $0x8FFFFFFF  }
0x98: {  	s19 =	sld [smem:$0x3FDB];
	_ =	sdelay $0x1  }
0x99: {  	s4 =	simm.s32 $_scs_section_size  }
0x9a: {  	s5 =	simm.s32 $_size__tile_overlayer_lowered;
	s6 =	simm.s32 $_tile_overlayer_lowered  }
0x9b: {  	s22 =	simm.s32 $0x1BFF;
	s21 =	sshll.u32 s6, $0x1;
	s3 =	sadd.s32 s4, s19  }
0x9c: {  	s7 =	simm.s32 $0x0;
	s20 =	sshll.u32 s5, $0x1;
	s5 =	sadd.s32 s21, s3  }
0x9d: {  	[timem:s7], [sflag:s22] =	dma.local [hbm:s5], s20  }
0x9e: {  	_ =	swait.ge [sflag:s22], s20  }
0x9f: {  	s4 =	ssub.s32 $0x0, s20;
	[sflag:s22] =	ssyncset.done $0x0  }
0xa0: {  	[sflag:s22] =	ssyncadd.s32 s4;
	_ =	sdelay $0x1  }
0xa1: {  	s23 =	simm.s32 $0x1B8B  }
0xa2: {  	_ =	swait.ge [sflag:s23], $0x1  }
0xa3: {  	[sflag:s23] =	ssyncset.done $0x0  }
0xa4: {  	s25 =	simm.s32 $0x1B8E;
	s24 =	sld [smem:$0x3FFE];
	[sflag:s23] =	ssyncadd.s32 $0xFFFFFFFF  }
0xa5: {  	s26 =	simm.s32 $execute0_lowered;
	[smem:$0x3FD2] =	sst s25  }
0xa6: {  	s5 =	sshll.u32 s26, $0x1;
	_ =	strace $0x80000046;
	[dreg:$0x1] =	wrdreg $0xFFFFFFFF  }
0xa7: {  	s28 =	simm.s32 $_size_execute0_lowered;
	s3 =	sadd.s32 s3, s5;
	[dreg:$0x0] =	wrdreg $0x0  }
0xa8: {  	s5 =	sshll.u32 s28, $0x1;
	[dreg:$0x2] =	wrdreg s3  }
0xa9: {  	[dreg:$0x3] =	wrdreg s5  }
0xaa: {  	[dreg:$0x4] =	wrdreg $0xC0  }
0xab: {  	_ =	task [dreg:s7], $0x5FFFF  }
0xac: {  	[dreg:$0x1] =	wrdreg $0xFFFFFFFF  }
0xad: {  	[dreg:$0x0] =	wrdreg $0x60  }
0xae: {  	[dreg:$0x2] =	wrdreg s24  }
0xaf: {  	[dreg:$0x3] =	wrdreg s2  }
0xb0: {  	[dreg:$0x4] =	wrdreg $0x9  }
0xb1: {  	_ =	task.clear_ibuf [dreg:s7], $0x5FFFF;
	_ =	strace $0x90000046  }
0xb2: {  	s29 =	simm.s32 $0x9;
	_ =	strace $0x80000048  }
0xb3: {  	_ =	swait.ge [sflag:s29], $0x1  }
0xb4: {  	[sflag:s29] =	ssyncadd.s32 $0xFFFFFFFF  }
0xb5: {  	_ =	strace $0x90000048  }
0xb6: {  	_ =	sfence  }
0xb7: {  	s30 =	sld [smem:$0x0];
	_ =	sdelay $0x2  }
0xb8: {  	s31 =	sshll.u32 s1, $0xD;
	s1 =	sshrl.u32 s1, $0x2  }
0xb9: {  	s3 =	sand.u32 $0x4000, s31;
	s1 =	sadd.s32 s1, s30  }
0xba: {  	s0 =	sor.u32 s3, s0;
	s1 =	sshll.u32 s1, $0x11  }
0xbb: {  	s0 =	sor.u32 s1, s0  }
0xbc: {  	s0 =	sadd.s32 $0x8F2B, s0  }
0xbd: {  	[sflag:s0] =	ssyncadd.remote.s32 $0x1  }
0xbe: {  	_ =	sfence.sel $0xFFFF  }
0xbf: {  	[dreg:$0x0] =	wrdreg $0xFFFFFFFF;
	(pc) =	sbr.abs _section_cstart, $3  }
0xc0: {  	[dreg:$0x1] =	wrdreg $0xFFFFFFFF  }
0xc1: {  	_ =	task.clear_ibuf [dreg:s7], $0x2FFFF;
	_ =	strace $0x9FFFFFFF  }
0xc2: {  	(tm) =	ssettm $0x7FFFFFFF  }
0xc3: {  	_ =	shalt  }
tec
execute0_lowered:
.L_overlay_start_1:
0x0: {  	(tag) =	ssettag $0x1  }
0x1: {  	s0 =	srdreg.scid  }
0x2: {  	s2 =	stileid.u32;
	s1 =	rddreg [dreg:$0x0];
	s9 =	simm.s32 $0x5  }
0x3: {  	s10 =	simm.s32 $0x80;
	s11 =	simm.s32 $0x7000;
	s14 =	simm.s32 $0x7080  }
0x4: {  	s15 =	simm.s32 $0x8100;
	s16 =	simm.s32 $0xA100;
	s17 =	simm.s32 $0x1  }
0x5: {  	s18 =	simm.s32 $0x3;
	s19 =	simm.s32 $0xB100;
	s20 =	simm.s32 $0x400  }
0x6: {  	s21 =	simm.s32 $0x20000;
	s22 =	simm.s32 $0x2;
	s23 =	simm.s32 $0x4  }
0x7: {  	s24 =	simm.s32 $0xC100;
	s0 =	sand.u32 $0x1, s0;
	s3 =	sshll.u32 s2, $0x1  }
0x8: {  	v3 =	vlaneseq.u32;
	s2 =	rddreg [dreg:$0x1];
	s6 =	sor.u32 s0, s3;
	s0 =	ssub.s32 $0x2, s0  }
0x9: {  	v0 =	vmul.u32 $0x38, v3;
	s3 =	simm.s32 $0x0;
	s4 =	smul.u32 $0xE00, s6;
	s30 =	sshrl.u32 s0, $0x1  }
0xa: {  	s5 =	sadd.s32 $0xF42A00, s1;
	[smem:$0x7FF] =	sst s3;
	s0 =	ssub.s32 s0, s30  }
0xb: {  	v3 =	vmul.u32 $0x80, v3;
	v1 =	vadd.s32 $0x380, v0;
	v2 =	vadd.s32 $0x700, v0;
	_ =	strace $0x80000047;
	s7 =	sadd.s32 s4, s1;
	s0 =	smax.u32 s0, $0x1  }
0xc: {  	v4 =	vadd.s32 $0xA80, v0;
	v5 =	vadd.s32 $0xE00, v0;
	v6 =	vadd.s32 $0x1180, v0;
	s4 =	sadd.s32 $0x1313400, s1;
	s31 =	sadd.s32 $0x600, s7;
	[dreg:$0x4] =	wrdreg s0  }
0xd: {  	v7 =	vadd.s32 $0x1500, v0;
	v8 =	vadd.s32 $0x1880, v0;
	v9 =	vor.u32 $0x800, v3;
	s1 =	simm.s32 $0x0;
	s7 =	sshll.u32 s6, $0xC;
	[dreg:$0x3] =	wrdreg s31  }
.LBB2_1:
0xe: {  	[dreg:$0x5] =	wrdreg s1  }
0xf: {  	s0 =	rddreg [dreg:$0x3]  }
0x10: {  	[tilespmem:s3], [sflag:$0x5] =	stream.linear.gather [hbm4b:s0+s3], $0x7000, $0x38;
	[tilespmem:$0xD100] =	vst v63  }
0x11: {  	_ =	swait.ge [sflag:s9], $0x7000  }
0x12: {  	[sflag:s9] =	ssyncset.done $0x0  }
0x13: {  	[sflag:s9] =	ssyncadd.s32 $0xFFFF9000  }
0x14: {  	v10 =	vld.idx.msk [tilespmem:v0+s3+$0x0], $0xffff;
	_ =	sdelay $0x4  }
0x15: {  	[tilespmem:$0x7000] =	vst v10  }
0x16: {  	v10 =	vld.idx.msk [tilespmem:v1+s3+$0x0], $0xffff;
	_ =	sdelay $0x4  }
0x17: {  	[tilespmem:$0x7010] =	vst v10  }
0x18: {  	v10 =	vld.idx.msk [tilespmem:v2+s3+$0x0], $0xffff;
	_ =	sdelay $0x4  }
0x19: {  	[tilespmem:$0x7020] =	vst v10  }
0x1a: {  	v10 =	vld.idx.msk [tilespmem:v4+s3+$0x0], $0xffff;
	_ =	sdelay $0x4  }
0x1b: {  	[tilespmem:$0x7030] =	vst v10  }
0x1c: {  	v10 =	vld.idx.msk [tilespmem:v5+s3+$0x0], $0xffff;
	_ =	sdelay $0x4  }
0x1d: {  	[tilespmem:$0x7040] =	vst v10  }
0x1e: {  	v10 =	vld.idx.msk [tilespmem:v6+s3+$0x0], $0xffff;
	_ =	sdelay $0x4  }
0x1f: {  	[tilespmem:$0x7050] =	vst v10  }
0x20: {  	v10 =	vld.idx.msk [tilespmem:v7+s3+$0x0], $0xffff;
	_ =	sdelay $0x4  }
0x21: {  	[tilespmem:$0x7060] =	vst v10  }
0x22: {  	v10 =	vld.idx.msk [tilespmem:v8+s3+$0x0], $0xffff;
	_ =	sdelay $0x4  }
0x23: {  	s30 =	simm.s32 $0x7100;
	[tilespmem:$0x7070] =	vst v10  }
0x24: {  	[tilespmem:s30], [sflag:$0x1] =	stream.indirect.gather [hbm4b:s4+s10], $0x20, s11, s10, $0xb8;
	[tilespmem:$0xD100] =	vst v63  }
0x25: {  	s31 =	simm.s32 $0x9100;
	s26 =	simm.s32 $0x0  }
0x26: {  	[tilespmem:s31], [sflag:$0x3] =	stream.indirect.gather [hbm4b:s5+s10], $0x20, s11, s10, $0xb8;
	[tilespmem:$0xD100] =	vst v63  }
.LBB2_2:
0x27: {  	s0 =	smul.u32 $0x29, s26;
	_ =	sdelay $0x1  }
0x28: {  	s0 =	sshrl.u32 s0, $0xA  }
0x29: {  	s31 =	sand.u32 $0x3F, s0  }
0x2a: {  	s0 =	smul.u32 $0xFFFFFFCE, s31  }
0x2b: {  	s30 =	sshll.u32 s26, $0x1  }
0x2c: {  	s1 =	sshll.u32 s31, $0x7;
	s29 =	sadd.s32 s30, s0  }
0x2d: {  	v10 =	vmov s1;
	s28 =	sor.u32 $0x1, s29  }
0x2e: {  	v10 =	vmul.u32 $0x38, v10;
	v11 =	vmov s28  }
0x2f: {  	v12 =	vand.u32 $0xFFFFFFF8, v11  }
0x30: {  	v10 =	vadd.s32 v12, v10  }
0x31: {  	v10 =	vbroadcast v10, $0x0  }
0x32: {  	s12 =	sor.u32 $0x10, s1;
	v11 =	vand.u32 $0x7, v11  }
0x33: {  	v13 =	vmov s12;
	v10 =	vor.u32 v11, v10  }
0x34: {  	v13 =	vmul.u32 $0x38, v13;
	v10 =	vadd.s32 v0, v10;
	_ =	sdelay $0x1  }
0x35: {  	v13 =	vadd.s32 v12, v13  }
0x36: {  	v13 =	vbroadcast v13, $0x0  }
0x37: {  	s6 =	sor.u32 $0x20, s1;
	s0 =	simm.s32 $0x0  }
0x38: {  	v14 =	vmov s6;
	v13 =	vor.u32 v11, v13;
	v10 =	vld.idx.msk [tilespmem:v10+s0+$0x0], $0xffff  }
0x39: {  	v14 =	vmul.u32 $0x38, v14;
	v13 =	vadd.s32 v0, v13;
	_ =	sdelay $0x1  }
0x3a: {  	v14 =	vadd.s32 v12, v14  }
0x3b: {  	v14 =	vbroadcast v14, $0x0  }
0x3c: {  	s13 =	sor.u32 $0x30, s1;
	[tilespmem:$0x7080] =	vst v10  }
0x3d: {  	v10 =	vld.idx.msk [tilespmem:v13+s0+$0x0], $0xffff;
	v13 =	vor.u32 v11, v14;
	v14 =	vmov s13  }
0x3e: {  	v13 =	vadd.s32 v0, v13;
	v14 =	vmul.u32 $0x38, v14;
	_ =	sdelay $0x1  }
0x3f: {  	v14 =	vadd.s32 v12, v14  }
0x40: {  	v14 =	vbroadcast v14, $0x0  }
0x41: {  	s25 =	sor.u32 $0x40, s1;
	[tilespmem:$0x7090] =	vst v10  }
0x42: {  	v10 =	vld.idx.msk [tilespmem:v13+s0+$0x0], $0xffff;
	v13 =	vor.u32 v11, v14;
	v14 =	vmov s25  }
0x43: {  	v13 =	vadd.s32 v0, v13;
	v14 =	vmul.u32 $0x38, v14;
	_ =	sdelay $0x1  }
0x44: {  	v14 =	vadd.s32 v12, v14  }
0x45: {  	v14 =	vbroadcast v14, $0x0  }
0x46: {  	s8 =	sor.u32 $0x50, s1;
	[tilespmem:$0x70A0] =	vst v10  }
0x47: {  	v10 =	vld.idx.msk [tilespmem:v13+s0+$0x0], $0xffff;
	v13 =	vor.u32 v11, v14;
	v14 =	vmov s8  }
0x48: {  	v13 =	vadd.s32 v0, v13;
	v14 =	vmul.u32 $0x38, v14;
	_ =	sdelay $0x1  }
0x49: {  	v14 =	vadd.s32 v12, v14  }
0x4a: {  	v14 =	vbroadcast v14, $0x0  }
0x4b: {  	s12 =	sor.u32 $0x60, s1;
	[tilespmem:$0x70B0] =	vst v10  }
0x4c: {  	v10 =	vld.idx.msk [tilespmem:v13+s0+$0x0], $0xffff;
	v13 =	vor.u32 v11, v14;
	v14 =	vmov s12  }
0x4d: {  	v13 =	vadd.s32 v0, v13;
	v14 =	vmul.u32 $0x38, v14;
	_ =	sdelay $0x1  }
0x4e: {  	v14 =	vadd.s32 v12, v14  }
0x4f: {  	v14 =	vbroadcast v14, $0x0  }
0x50: {  	s1 =	sor.u32 $0x70, s1;
	[tilespmem:$0x70C0] =	vst v10  }
0x51: {  	v10 =	vld.idx.msk [tilespmem:v13+s0+$0x0], $0xffff;
	v13 =	vor.u32 v11, v14;
	v14 =	vmov s1  }
0x52: {  	v13 =	vadd.s32 v0, v13;
	v14 =	vmul.u32 $0x38, v14;
	_ =	sdelay $0x1  }
0x53: {  	v12 =	vadd.s32 v12, v14  }
0x54: {  	v12 =	vbroadcast v12, $0x0  }
0x55: {  	[tilespmem:$0x70D0] =	vst v10  }
0x56: {  	v10 =	vld.idx.msk [tilespmem:v13+s0+$0x0], $0xffff;
	v11 =	vor.u32 v11, v12  }
0x57: {  	v11 =	vadd.s32 v0, v11;
	_ =	sdelay $0x3  }
0x58: {  	[tilespmem:$0x70E0] =	vst v10  }
0x59: {  	v10 =	vld.idx.msk [tilespmem:v11+s0+$0x0], $0xffff;
	_ =	sdelay $0x4  }
0x5a: {  	[tilespmem:$0x70F0] =	vst v10  }
0x5b: {  	[tilespmem:s15], [sflag:$0x2] =	stream.indirect.gather [hbm4b:s4+s10], $0x20, s14, s10, $0xb8;
	[tilespmem:$0xD100] =	vst v63  }
0x5c: {  	_ = 	snop  }
0x5d: {  	[tilespmem:s16], [sflag:$0x4] =	stream.indirect.gather [hbm4b:s5+s10], $0x20, s14, s10, $0xb8;
	[tilespmem:$0xD100] =	vst v63  }
0x5e: {  	_ =	swait.ge [sflag:s17], $0x1000  }
0x5f: {  	[sflag:s17] =	ssyncset.done $0x0  }
0x60: {  	[sflag:s17] =	ssyncadd.s32 $0xFFFFF000  }
0x61: {  	_ =	swait.ge [sflag:s18], $0x1000  }
0x62: {  	[sflag:s18] =	ssyncset.done $0x0  }
0x63: {  	s12 =	simm.s32 $0x7120;
	[sflag:s18] =	ssyncadd.s32 $0xFFFFF000  }
0x64: {  	s1 =	simm.s32 $0x9120;
	v10 =	vld [tilespmem:s12+$0x0]  }
0x65: {  	v11 =	vld [tilespmem:s1+$0x0];
	_ =	sdelay $0x4  }
0x66: {  	v12 =	vsub.f32 v10, v11;
	_ =	sdelay $0x1  }
0x67: {  	v12 =	vmul.f32 $9.999999770e-03, v12;
	_ =	sdelay $0x1  }
0x68: {  	v11 =	vadd.f32 v12, v11  }
0x69: {  	v13 =	vld [tilespmem:s1+$0xFFFFFFE0]  }
0x6a: {  	v12 =	vld [tilespmem:s12+$0xFFFFFFE0];
	v14 =	vmul.f32 v11, v10;
	_ =	sdelay $0x1  }
0x6b: {  	v14 =	vand.u32 $0x7FFFFFFF, v14  }
0x6c: {  	v15 =	vshrl.u32 v14, $0x1;
	v16 =	vmul.f32 $5.000000000e-01, v14  }
0x6d: {  	v15 =	vsub.s32 $0x5F3759DF, v15  }
0x6e: {  	v17 =	vsub.f32 v12, v13;
	v16 =	vmul.f32 v15, v16  }
0x6f: {  	s13 =	simm.s32 $0x1  }
0x70: {  	v18 =	vmov s13;
	v17 =	vmul.f32 $9.999999770e-03, v17;
	v16 =	vmul.f32 v15, v16  }
0x71: {  	v18 =	vand.u32 $0x7F, v18  }
0x72: {  	v13 =	vadd.f32 v17, v13;
	v17 =	vbroadcast v18, $0x0;
	v16 =	vsub.f32 $1.500000000e+00, v16;
	_ =	sdelay $0x1  }
0x73: {  	v18 =	vmul.f32 v13, v12;
	v15 =	vmul.f32 v15, v16;
	v16 =	vor.u32 v3, v17  }
0x74: {  	s8 =	simm.s32 $0x9160;
	v10 =	vadd.f32 v11, v10  }
0x75: {  	s6 =	simm.s32 $0x7160;
	v20 =	vld [tilespmem:s8+$0x0];
	v11 =	vand.u32 $0x7FFFFFFF, v18;
	v14 =	vmul.f32 v15, v14  }
0x76: {  	v10 =	vand.u32 $0x80000000, v10;
	v18 =	vld [tilespmem:s6+$0x0];
	v19 =	vmul.f32 $5.000000000e-01, v11;
	v15 =	vshrl.u32 v11, $0x1  }
0x77: {  	v21 =	vld [tilespmem:s6+$0xFFFFFFE0];
	v15 =	vsub.s32 $0x5F3759DF, v15;
	v10 =	vxor.u32 v14, v10  }
0x78: {  	v14 =	vmul.f32 v15, v19;
	v19 =	vld [tilespmem:s8+$0xFFFFFFE0];
	[tilespmem:v16+s19+$0x0] =	vst.idx.msk $0xffff, v10  }
0x79: {  	v16 =	vld [tilespmem:s12+$0x10]  }
0x7a: {  	v10 =	vmov s0;
	v14 =	vmul.f32 v15, v14;
	v22 =	vld [tilespmem:s1+$0x10]  }
0x7b: {  	v23 =	vsub.f32 v18, v20;
	v10 =	vand.u32 $0x7E, v10  }
0x7c: {  	v24 =	vbroadcast v10, $0x0;
	v10 =	vsub.f32 $1.500000000e+00, v14  }
0x7d: {  	v23 =	vmul.f32 $9.999999770e-03, v23;
	v14 =	vsub.f32 v21, v19  }
0x7e: {  	v12 =	vadd.f32 v13, v12;
	v25 =	vor.u32 v3, v24;
	v10 =	vmul.f32 v15, v10  }
0x7f: {  	v13 =	vmul.f32 $9.999999770e-03, v14;
	v14 =	vadd.f32 v23, v20;
	v15 =	vsub.f32 v16, v22  }
0x80: {  	v12 =	vand.u32 $0x80000000, v12;
	v10 =	vmul.f32 v10, v11  }
0x81: {  	s25 =	simm.s32 $0x2;
	v11 =	vadd.f32 v13, v19;
	v13 =	vmul.f32 v14, v18;
	v15 =	vmul.f32 $9.999999770e-03, v15  }
0x82: {  	v19 =	vmov s25;
	v14 =	vadd.f32 v14, v18;
	v10 =	vxor.u32 v10, v12  }
0x83: {  	v12 =	vmul.f32 v11, v21;
	v13 =	vand.u32 $0x7FFFFFFF, v13;
	v15 =	vadd.f32 v15, v22  }
0x84: {  	[tilespmem:v25+s19+$0x0] =	vst.idx.msk $0xffff, v10;
	v10 =	vand.u32 $0x7E, v19;
	v19 =	vshrl.u32 v13, $0x1;
	v20 =	vmul.f32 $5.000000000e-01, v13  }
0x85: {  	v22 =	vld [tilespmem:s12+$0xFFFFFFF0];
	s12 =	simm.s32 $0x3;
	v12 =	vand.u32 $0x7FFFFFFF, v12;
	v19 =	vsub.s32 $0x5F3759DF, v19;
	v23 =	vmul.f32 v15, v16  }
0x86: {  	v25 =	vld [tilespmem:s1+$0xFFFFFFF0];
	v28 =	vmov s12;
	v26 =	vshrl.u32 v12, $0x1;
	v20 =	vmul.f32 v19, v20  }
0x87: {  	v27 =	vmul.f32 $5.000000000e-01, v12;
	v26 =	vsub.s32 $0x5F3759DF, v26;
	v23 =	vand.u32 $0x7FFFFFFF, v23  }
0x88: {  	v20 =	vmul.f32 v19, v20;
	v29 =	vshrl.u32 v23, $0x1;
	v30 =	vmul.f32 $5.000000000e-01, v23  }
0x89: {  	s0 =	simm.s32 $0x91A0;
	v28 =	vand.u32 $0x7F, v28;
	v27 =	vmul.f32 v26, v27;
	v29 =	vsub.s32 $0x5F3759DF, v29  }
0x8a: {  	v34 =	vld [tilespmem:s0+$0x0];
	s1 =	simm.s32 $0x71A0;
	v32 =	vbroadcast v28, $0x0;
	v20 =	vsub.f32 $1.500000000e+00, v20;
	v30 =	vmul.f32 v29, v30  }
0x8b: {  	v11 =	vadd.f32 v11, v21;
	v28 =	vld [tilespmem:s1+$0x0];
	v33 =	vsub.f32 v22, v25;
	v27 =	vmul.f32 v26, v27  }
0x8c: {  	v19 =	vmul.f32 v19, v20;
	v20 =	vor.u32 v3, v32;
	v30 =	vmul.f32 v29, v30  }
0x8d: {  	v14 =	vand.u32 $0x80000000, v14;
	v33 =	vmul.f32 $9.999999770e-03, v33;
	v18 =	vsub.f32 $1.500000000e+00, v27  }
0x8e: {  	v10 =	vbroadcast v10, $0x0;
	v13 =	vmul.f32 v19, v13;
	v21 =	vsub.f32 $1.500000000e+00, v30  }
0x8f: {  	v27 =	vor.u32 v9, v17;
	v17 =	vld [tilespmem:s0+$0xFFFFFFE0];
	v19 =	vadd.f32 v33, v25;
	v18 =	vmul.f32 v26, v18  }
0x90: {  	v25 =	vld [tilespmem:s1+$0xFFFFFFE0];
	v13 =	vxor.u32 v13, v14;
	v14 =	vsub.f32 v28, v34;
	v21 =	vmul.f32 v29, v21  }
0x91: {  	s13 =	simm.s32 $0x4;
	v11 =	vand.u32 $0x80000000, v11;
	v12 =	vmul.f32 v18, v12;
	v18 =	vmul.f32 v19, v22;
	[tilespmem:v20+s19+$0x0] =	vst.idx.msk $0xffff, v13  }
0x92: {  	v15 =	vadd.f32 v15, v16;
	v16 =	vmov s13;
	v31 =	vor.u32 v3, v10;
	v13 =	vld [tilespmem:s6+$0x10]  }
0x93: {  	v14 =	vmul.f32 $9.999999770e-03, v14;
	v20 =	vmul.f32 v21, v23;
	v21 =	vld [tilespmem:s8+$0x10];
	v23 =	vand.u32 $0x7FFFFFFF, v18  }
0x94: {  	v15 =	vand.u32 $0x80000000, v15;
	v11 =	vxor.u32 v12, v11;
	v12 =	vshrl.u32 v23, $0x1  }
0x95: {  	v14 =	vadd.f32 v14, v34;
	v30 =	vxor.u32 v20, v15;
	v15 =	vsub.f32 v25, v17  }
0x96: {  	v19 =	vadd.f32 v19, v22;
	v20 =	vmul.f32 $5.000000000e-01, v23;
	v29 =	vsub.s32 $0x5F3759DF, v12  }
0x97: {  	v12 =	vand.u32 $0x7E, v16;
	v18 =	vmul.f32 v14, v28;
	v15 =	vmul.f32 $9.999999770e-03, v15  }
0x98: {  	[tilespmem:v31+s19+$0x0] =	vst.idx.msk $0xffff, v11;
	v11 =	vbroadcast v12, $0x0;
	v12 =	vor.u32 v9, v24;
	v16 =	vsub.f32 v13, v21  }
0x99: {  	v37 =	vadd.f32 v14, v28;
	v60 =	vand.u32 $0x7FFFFFFF, v18;
	v26 =	vadd.f32 v15, v17  }
0x9a: {  	v18 =	vmul.f32 v29, v20;
	v20 =	vshrl.u32 v60, $0x1;
	v16 =	vmul.f32 $9.999999770e-03, v16  }
0x9b: {  	v22 =	vmul.f32 $5.000000000e-01, v60;
	v61 =	vsub.s32 $0x5F3759DF, v20;
	v20 =	vmul.f32 v26, v25  }
0x9c: {  	v15 =	vand.u32 $0x80000000, v19;
	v31 =	vmul.f32 v29, v18;
	v17 =	vadd.f32 v16, v21  }
0x9d: {  	v24 =	vadd.f32 v26, v25;
	v19 =	vmul.f32 v61, v22;
	v16 =	vld [tilespmem:s6+$0xFFFFFFF0];
	v22 =	vand.u32 $0x7FFFFFFF, v20  }
0x9e: {  	v21 =	vld [tilespmem:s8+$0xFFFFFFF0];
	v31 =	vsub.f32 $1.500000000e+00, v31;
	v20 =	vmul.f32 v17, v13;
	v25 =	vshrl.u32 v22, $0x1  }
0x9f: {  	s25 =	simm.s32 $0x5;
	v19 =	vmul.f32 v61, v19;
	v26 =	vmul.f32 $5.000000000e-01, v22;
	v35 =	vsub.s32 $0x5F3759DF, v25  }
0xa0: {  	v25 =	vmov s25;
	v31 =	vmul.f32 v29, v31;
	v20 =	vand.u32 $0x7FFFFFFF, v20  }
0xa1: {  	v19 =	vsub.f32 $1.500000000e+00, v19;
	v36 =	vshrl.u32 v20, $0x1;
	v62 =	vmul.f32 $5.000000000e-01, v20  }
0xa2: {  	v26 =	vmul.f32 v35, v26;
	v14 =	vand.u32 $0x7F, v25;
	v36 =	vsub.s32 $0x5F3759DF, v36  }
0xa3: {  	v28 =	vsub.f32 v16, v21;
	v14 =	vbroadcast v14, $0x0;
	v25 =	vmul.f32 v36, v62  }
0xa4: {  	v19 =	vmul.f32 v61, v19;
	v63 =	vmul.f32 v35, v26;
	v26 =	vand.u32 $0x80000000, v24  }
0xa5: {  	v24 =	vmul.f32 $9.999999770e-03, v28;
	v29 =	vor.u32 v3, v14;
	v28 =	vmul.f32 v36, v25  }
0xa6: {  	[tilespmem:v27+s19+$0x0] =	vst.idx.msk $0xffff, v30;
	v27 =	vand.u32 $0x80000000, v37;
	s8 =	simm.s32 $0x71E0;
	v34 =	vsub.f32 $1.500000000e+00, v63  }
0xa7: {  	s6 =	simm.s32 $0x91E0;
	v33 =	vmul.f32 v19, v60;
	v19 =	vld [tilespmem:s8+$0x0];
	v25 =	vadd.f32 v24, v21;
	v21 =	vsub.f32 $1.500000000e+00, v28  }
0xa8: {  	v18 =	vor.u32 v3, v11;
	v24 =	vmul.f32 v31, v23;
	v30 =	vmul.f32 v35, v34;
	v28 =	vld [tilespmem:s6+$0x0]  }
0xa9: {  	s12 =	simm.s32 $0x8;
	s25 =	simm.s32 $0x6;
	v23 =	vld [tilespmem:s8+$0xFFFFFFE0];
	v31 =	vxor.u32 v33, v27;
	v27 =	vmul.f32 v36, v21;
	v21 =	vor.u32 v9, v32  }
.LBB2_3:
0xaa: {  	p0 =	slt.u32 s12, $0x7E;
	v32 =	vmov s25;
	v33 =	vld [tilespmem:s6+$0xFFFFFFE0];
	v22 =	vmul.f32 v30, v22;
	[tilespmem:v29+s19+$0x0] =	vst.idx.msk $0xffff, v31;
	v17 =	vadd.f32 v17, v13  }
0xab: {  	v29 =	vmul.f32 v25, v16;
	v25 =	vadd.f32 v25, v16;
	v13 =	vld [tilespmem:s1+$0x10];
	v16 =	vmul.f32 v27, v20  }
0xac: {  	v24 =	vxor.u32 v24, v15;
	v20 =	vxor.u32 v22, v26;
	v22 =	vld [tilespmem:s0+$0x10];
	v17 =	vand.u32 $0x80000000, v17  }
0xad: {  	v27 =	vand.u32 $0x7FFFFFFF, v29;
	v26 =	vsub.f32 v19, v28;
	[tilespmem:v18+s19+$0x0] =	vst.idx.msk $0xffff, v20;
	v17 =	vxor.u32 v16, v17  }
0xae: {  	v15 =	vand.u32 $0x80000000, v25;
	v18 =	vshrl.u32 v27, $0x1;
	v20 =	vmul.f32 $5.000000000e-01, v27;
	v16 =	vld [tilespmem:s1+$0xFFFFFFF0];
	[tilespmem:v21+s19+$0x0] =	vst.idx.msk $0xffff, v17;
	s1 =	smov.u32 s8  }
0xaf: {  	v30 =	vsub.s32 $0x5F3759DF, v18;
	v17 =	vsub.f32 v23, v33;
	v21 =	vmul.f32 $9.999999770e-03, v26;
	v25 =	vld [tilespmem:s0+$0xFFFFFFF0];
	[tilespmem:v12+s19+$0x0] =	vst.idx.msk $0xffff, v24;
	s0 =	smov.u32 s6  }
0xb0: {  	v18 =	vand.u32 $0x7E, v32;
	v12 =	vmul.f32 v30, v20  }
0xb1: {  	v17 =	vmul.f32 $9.999999770e-03, v17;
	v21 =	vadd.f32 v21, v28;
	v20 =	vsub.f32 v13, v22  }
0xb2: {  	v24 =	vmul.f32 v30, v12;
	v12 =	vor.u32 v9, v10;
	v10 =	vmovc v11;
	v11 =	vbroadcast v18, $0x0  }
0xb3: {  	v26 =	vadd.f32 v17, v33;
	v17 =	vmul.f32 v21, v19;
	v20 =	vmul.f32 $9.999999770e-03, v20  }
0xb4: {  	v18 =	vor.u32 v3, v11;
	v24 =	vsub.f32 $1.500000000e+00, v24;
	v28 =	vsub.f32 v16, v25  }
0xb5: {  	v29 =	vmul.f32 v26, v23;
	v31 =	vand.u32 $0x7FFFFFFF, v17;
	v17 =	vadd.f32 v20, v22  }
0xb6: {  	v23 =	vadd.f32 v26, v23;
	v20 =	vshrl.u32 v31, $0x1;
	v26 =	vmul.f32 $5.000000000e-01, v31  }
0xb7: {  	v22 =	vand.u32 $0x7FFFFFFF, v29;
	v29 =	vsub.s32 $0x5F3759DF, v20;
	v20 =	vmul.f32 v17, v13  }
0xb8: {  	s13 =	sadd.s32 $0x1, s25;
	s25 =	smov.u32 s12;
	v32 =	vshrl.u32 v22, $0x1;
	v33 =	vmul.f32 $5.000000000e-01, v22;
	v26 =	vmul.f32 v29, v26  }
0xb9: {  	v34 =	vmov s13;
	v32 =	vsub.s32 $0x5F3759DF, v32;
	v20 =	vand.u32 $0x7FFFFFFF, v20  }
0xba: {  	v26 =	vmul.f32 v29, v26;
	v35 =	vshrl.u32 v20, $0x1;
	v36 =	vmul.f32 $5.000000000e-01, v20  }
0xbb: {  	v34 =	vand.u32 $0x7F, v34;
	v33 =	vmul.f32 v32, v33;
	v35 =	vsub.s32 $0x5F3759DF, v35  }
0xbc: {  	v34 =	vbroadcast v34, $0x0;
	v37 =	vsub.f32 $1.500000000e+00, v26;
	v36 =	vmul.f32 v35, v36  }
0xbd: {  	v33 =	vmul.f32 v32, v33;
	v26 =	vand.u32 $0x80000000, v23;
	v23 =	vmul.f32 $9.999999770e-03, v28  }
.Ltmp0:
0xbe: {  	v28 =	vmul.f32 v29, v37;
	v29 =	vor.u32 v3, v34;
	v36 =	vmul.f32 v35, v36;
	(pc) =	sbr.rel @p0 .LBB2_3-.Ltmp0, $4  }
0xbf: {  	s8 =	sadd.s32 $0x40, s8;
	v21 =	vadd.f32 v21, v19;
	v24 =	vmul.f32 v30, v24;
	v33 =	vsub.f32 $1.500000000e+00, v33  }
0xc0: {  	s6 =	sadd.s32 $0x40, s6;
	v25 =	vadd.f32 v23, v25;
	v19 =	vld [tilespmem:s8+$0x0];
	v31 =	vmul.f32 v28, v31;
	v36 =	vsub.f32 $1.500000000e+00, v36  }
0xc1: {  	v21 =	vand.u32 $0x80000000, v21;
	v24 =	vmul.f32 v24, v27;
	v30 =	vmul.f32 v32, v33;
	v28 =	vld [tilespmem:s6+$0x0]  }
0xc2: {  	s12 =	sadd.s32 $0x2, s12;
	v23 =	vld [tilespmem:s8+$0xFFFFFFE0];
	v31 =	vxor.u32 v31, v21;
	v27 =	vmul.f32 v35, v36;
	v21 =	vor.u32 v9, v14;
	v14 =	vmovc v34  }
0xc3: {  	v32 =	vld [tilespmem:s6+$0xFFFFFFE0];
	_ =	sdelay $0x2  }
0xc4: {  	v33 =	vsub.f32 v19, v28;
	_ =	sdelay $0x1  }
0xc5: {  	v34 =	vsub.f32 v23, v32;
	v33 =	vmul.f32 $9.999999770e-03, v33;
	_ =	sdelay $0x1  }
0xc6: {  	v34 =	vmul.f32 $9.999999770e-03, v34;
	v55 =	vadd.f32 v33, v28;
	_ =	sdelay $0x1  }
0xc7: {  	v32 =	vadd.f32 v34, v32;
	v33 =	vmul.f32 v55, v19;
	_ =	sdelay $0x1  }
0xc8: {  	v34 =	vmul.f32 v32, v23;
	v33 =	vand.u32 $0x7FFFFFFF, v33  }
0xc9: {  	v35 =	vshrl.u32 v33, $0x1;
	v36 =	vmul.f32 $5.000000000e-01, v33  }
0xca: {  	v34 =	vand.u32 $0x7FFFFFFF, v34;
	v35 =	vsub.s32 $0x5F3759DF, v35  }
0xcb: {  	[tilespmem:v29+s19+$0x0] =	vst.idx.msk $0xffff, v31;
	v56 =	vshrl.u32 v34, $0x1;
	v57 =	vmul.f32 $5.000000000e-01, v34;
	v36 =	vmul.f32 v35, v36  }
0xcc: {  	v37 =	vmov s25;
	s12 =	sadd.s32 $0x1, s25;
	v38 =	vld [tilespmem:s1+$0x10];
	v29 =	vsub.s32 $0x5F3759DF, v56  }
0xcd: {  	v39 =	vld [tilespmem:s0+$0x10];
	v40 =	vmov s12;
	v36 =	vmul.f32 v35, v36;
	v31 =	vmul.f32 v29, v57  }
0xce: {  	v22 =	vmul.f32 v30, v22;
	v37 =	vand.u32 $0x7E, v37;
	v40 =	vand.u32 $0x7F, v40  }
0xcf: {  	v40 =	vbroadcast v40, $0x0;
	v36 =	vsub.f32 $1.500000000e+00, v36;
	v31 =	vmul.f32 v29, v31  }
0xd0: {  	v30 =	vbroadcast v37, $0x0;
	v22 =	vxor.u32 v22, v26  }
0xd1: {  	[tilespmem:v18+s19+$0x0] =	vst.idx.msk $0xffff, v22;
	v58 =	vor.u32 v3, v40;
	v35 =	vmul.f32 v35, v36;
	v31 =	vsub.f32 $1.500000000e+00, v31  }
0xd2: {  	v26 =	vld [tilespmem:s1+$0xFFFFFFF0];
	v60 =	vsub.f32 v38, v39;
	v59 =	vadd.f32 v55, v19  }
0xd3: {  	v62 =	vor.u32 v3, v30;
	v37 =	vld [tilespmem:s0+$0xFFFFFFF0];
	v61 =	vmul.f32 v35, v33;
	v29 =	vmul.f32 v29, v31  }
0xd4: {  	v63 =	vmul.f32 $9.999999770e-03, v60;
	v32 =	vadd.f32 v32, v23;
	v19 =	vand.u32 $0x80000000, v59  }
0xd5: {  	v19 =	vxor.u32 v61, v19;
	v35 =	vmul.f32 v29, v34  }
0xd6: {  	v18 =	vadd.f32 v63, v39;
	v22 =	vand.u32 $0x80000000, v32;
	[tilespmem:v58+s19+$0x0] =	vst.idx.msk $0xffff, v19  }
0xd7: {  	v13 =	vadd.f32 v17, v13;
	v23 =	vld [tilespmem:s8+$0x10];
	v22 =	vxor.u32 v35, v22  }
0xd8: {  	v51 =	vsub.f32 v26, v37;
	v43 =	vmul.f32 v18, v38;
	v44 =	vld [tilespmem:s6+$0x10];
	[tilespmem:v62+s19+$0x0] =	vst.idx.msk $0xffff, v22  }
0xd9: {  	v49 =	vadd.f32 v25, v16;
	v15 =	vxor.u32 v24, v15;
	v10 =	vor.u32 v9, v10;
	v28 =	vld [tilespmem:s8+$0xFFFFFFF0]  }
0xda: {  	v54 =	vmul.f32 $9.999999770e-03, v51;
	v47 =	vand.u32 $0x7FFFFFFF, v43;
	v33 =	vmul.f32 v25, v16;
	v48 =	vld [tilespmem:s6+$0xFFFFFFF0]  }
0xdb: {  	v20 =	vmul.f32 v27, v20;
	v13 =	vand.u32 $0x80000000, v13;
	v50 =	vshrl.u32 v47, $0x1  }
0xdc: {  	v56 =	vadd.f32 v54, v37;
	v39 =	vand.u32 $0x7FFFFFFF, v33;
	v33 =	vmul.f32 $5.000000000e-01, v47  }
0xdd: {  	v25 =	vsub.s32 $0x5F3759DF, v50;
	v41 =	vshrl.u32 v39, $0x1;
	v42 =	vmul.f32 $5.000000000e-01, v39  }
0xde: {  	v45 =	vsub.s32 $0x5F3759DF, v41;
	v52 =	vmul.f32 v25, v33;
	v53 =	vsub.f32 v23, v44  }
0xdf: {  	v60 =	vmul.f32 v56, v26;
	v46 =	vmul.f32 v45, v42;
	v55 =	vsub.f32 v28, v48  }
0xe0: {  	v13 =	vxor.u32 v20, v13;
	v27 =	vmul.f32 v25, v52;
	v33 =	vmul.f32 $9.999999770e-03, v53  }
0xe1: {  	v19 =	vand.u32 $0x7FFFFFFF, v60;
	v17 =	vmul.f32 v45, v46;
	v59 =	vmul.f32 $9.999999770e-03, v55  }
0xe2: {  	v41 =	vshrl.u32 v19, $0x1;
	v57 =	vsub.f32 $1.500000000e+00, v27;
	v58 =	vadd.f32 v33, v44  }
0xe3: {  	v42 =	vmul.f32 $5.000000000e-01, v19;
	v17 =	vsub.f32 $1.500000000e+00, v17;
	v63 =	vadd.f32 v59, v48  }
0xe4: {  	v22 =	vadd.f32 v56, v26;
	v61 =	vmul.f32 v25, v57;
	v62 =	vmul.f32 v58, v23  }
0xe5: {  	v26 =	vsub.s32 $0x5F3759DF, v41;
	v17 =	vmul.f32 v45, v17;
	v29 =	vmul.f32 v63, v28  }
0xe6: {  	v20 =	vmul.f32 v61, v47;
	v47 =	vmul.f32 v26, v42;
	v24 =	vand.u32 $0x7FFFFFFF, v62  }
0xe7: {  	v43 =	vshrl.u32 v24, $0x1;
	v44 =	vmul.f32 $5.000000000e-01, v24;
	v29 =	vand.u32 $0x7FFFFFFF, v29  }
0xe8: {  	v33 =	vsub.s32 $0x5F3759DF, v43;
	v45 =	vshrl.u32 v29, $0x1;
	v46 =	vmul.f32 $5.000000000e-01, v29  }
0xe9: {  	v18 =	vadd.f32 v18, v38;
	v34 =	vmul.f32 v33, v44;
	v48 =	vsub.s32 $0x5F3759DF, v45  }
0xea: {  	v14 =	vor.u32 v9, v14;
	v31 =	vmul.f32 v26, v47;
	v35 =	vmul.f32 v48, v46  }
0xeb: {  	v11 =	vor.u32 v9, v11;
	v18 =	vand.u32 $0x80000000, v18;
	v34 =	vmul.f32 v33, v34  }
0xec: {  	v17 =	vmul.f32 v17, v39;
	v51 =	vsub.f32 $1.500000000e+00, v31;
	v35 =	vmul.f32 v48, v35  }
0xed: {  	[tilespmem:v12+s19+$0x0] =	vst.idx.msk $0xffff, v15;
	v16 =	vand.u32 $0x80000000, v49;
	v56 =	vor.u32 v9, v30;
	v34 =	vsub.f32 $1.500000000e+00, v34  }
0xee: {  	[tilespmem:v21+s19+$0x0] =	vst.idx.msk $0xffff, v13;
	v49 =	vxor.u32 v17, v16;
	v17 =	vmul.f32 v26, v51;
	v54 =	vsub.f32 $1.500000000e+00, v35  }
0xef: {  	v53 =	vor.u32 v9, v40;
	v50 =	vxor.u32 v20, v18;
	v52 =	vmul.f32 v33, v34  }
0xf0: {  	v55 =	vadd.f32 v58, v23;
	v57 =	vmul.f32 v17, v19;
	v18 =	vmul.f32 v48, v54  }
0xf1: {  	s25 =	sshll.u32 s31, $0xA;
	v60 =	vand.u32 $0x80000000, v22;
	[tilespmem:v14+s19+$0x0] =	vst.idx.msk $0xffff, v50;
	v58 =	vadd.f32 v63, v28;
	v12 =	vmul.f32 v52, v24  }
0xf2: {  	s31 =	sshll.u32 s29, $0x13;
	s29 =	sadd.s32 s7, s25;
	[tilespmem:v10+s19+$0x0] =	vst.idx.msk $0xffff, v49;
	v59 =	vand.u32 $0x80000000, v55;
	v62 =	vxor.u32 v57, v60;
	v61 =	vmul.f32 v18, v29  }
0xf3: {  	s0 =	sor.u32 s29, s31;
	v63 =	vand.u32 $0x80000000, v58;
	[tilespmem:v11+s19+$0x0] =	vst.idx.msk $0xffff, v62;
	v10 =	vxor.u32 v12, v59  }
0xf4: {  	p0 =	seq.s32 s26, $0x63;
	s0 =	sshrl.u32 s0, $0x3;
	[tilespmem:v53+s19+$0x0] =	vst.idx.msk $0xffff, v10;
	v10 =	vxor.u32 v61, v63  }
.Ltmp1:
0xf5: {  	s0 =	sadd.s32 s2, s0;
	[tilespmem:v56+s19+$0x0] =	vst.idx.msk $0xffff, v10;
	(pc) =	sbr.rel @p0 .LBB2_6-.Ltmp1, $4  }
0xf6: {  	[hbm4b:s0+s20] =	stream.strided.scatter [tilespmem:s19], [sflag:$0x5], $0x1000, s21, s20, $0x38;
	[tilespmem:$0xD100] =	vst v63  }
0xf7: {  	_ =	swait.ge [sflag:s9], $0x1000  }
0xf8: {  	[sflag:s9] =	ssyncset.done $0x0  }
0xf9: {  	[sflag:s9] =	ssyncadd.s32 $0xFFFFF000  }
0xfa: {  	s0 =	sadd.s32 $0x2, s30  }
0xfb: {  	s1 =	smulhi.u32 $0x51EB851F, s0;
	_ =	sdelay $0x1  }
0xfc: {  	s1 =	sshrl.u32 s1, $0x4  }
0xfd: {  	s6 =	smul.u32 $0xFFFFFFCE, s1  }
0xfe: {  	s1 =	sshll.u32 s1, $0x7  }
0xff: {  	v10 =	vmov s1;
	s0 =	sadd.s32 s0, s6  }
0x100: {  	v10 =	vmul.u32 $0x38, v10;
	v11 =	vmov s0  }
0x101: {  	v12 =	vand.u32 $0xFFFFFFF8, v11  }
0x102: {  	v10 =	vadd.s32 v12, v10  }
0x103: {  	v10 =	vbroadcast v10, $0x0  }
0x104: {  	s30 =	sor.u32 $0x10, s1;
	v11 =	vand.u32 $0x6, v11  }
0x105: {  	v13 =	vmov s30;
	v10 =	vor.u32 v11, v10  }
0x106: {  	v13 =	vmul.u32 $0x38, v13;
	v10 =	vadd.s32 v0, v10;
	_ =	sdelay $0x1  }
0x107: {  	v13 =	vadd.s32 v12, v13  }
0x108: {  	v13 =	vbroadcast v13, $0x0  }
0x109: {  	s31 =	sor.u32 $0x20, s1  }
0x10a: {  	v14 =	vmov s31;
	v13 =	vor.u32 v11, v13;
	v10 =	vld.idx.msk [tilespmem:v10+s3+$0x0], $0xffff  }
0x10b: {  	v14 =	vmul.u32 $0x38, v14;
	v13 =	vadd.s32 v0, v13;
	_ =	sdelay $0x1  }
0x10c: {  	v14 =	vadd.s32 v12, v14  }
0x10d: {  	v14 =	vbroadcast v14, $0x0  }
0x10e: {  	s6 =	sor.u32 $0x30, s1;
	[tilespmem:$0x7000] =	vst v10  }
0x10f: {  	v55 =	vmov s6;
	v54 =	vor.u32 v11, v14;
	v10 =	vld.idx.msk [tilespmem:v13+s3+$0x0], $0xffff  }
0x110: {  	v14 =	vmul.u32 $0x38, v55;
	v13 =	vadd.s32 v0, v54;
	_ =	sdelay $0x1  }
0x111: {  	v14 =	vadd.s32 v12, v14  }
0x112: {  	v14 =	vbroadcast v14, $0x0  }
0x113: {  	s8 =	sor.u32 $0x40, s1;
	[tilespmem:$0x7010] =	vst v10  }
0x114: {  	v57 =	vmov s8;
	v56 =	vor.u32 v11, v14;
	v10 =	vld.idx.msk [tilespmem:v13+s3+$0x0], $0xffff  }
0x115: {  	v14 =	vmul.u32 $0x38, v57;
	v13 =	vadd.s32 v0, v56;
	_ =	sdelay $0x1  }
0x116: {  	v14 =	vadd.s32 v12, v14  }
0x117: {  	v14 =	vbroadcast v14, $0x0  }
0x118: {  	s12 =	sor.u32 $0x50, s1;
	[tilespmem:$0x7020] =	vst v10  }
0x119: {  	v59 =	vmov s12;
	v58 =	vor.u32 v11, v14;
	v10 =	vld.idx.msk [tilespmem:v13+s3+$0x0], $0xffff  }
0x11a: {  	v14 =	vmul.u32 $0x38, v59;
	v13 =	vadd.s32 v0, v58;
	_ =	sdelay $0x1  }
0x11b: {  	v14 =	vadd.s32 v12, v14  }
0x11c: {  	v14 =	vbroadcast v14, $0x0  }
0x11d: {  	s13 =	sor.u32 $0x60, s1;
	[tilespmem:$0x7030] =	vst v10  }
0x11e: {  	v61 =	vmov s13;
	v60 =	vor.u32 v11, v14;
	v10 =	vld.idx.msk [tilespmem:v13+s3+$0x0], $0xffff  }
0x11f: {  	v14 =	vmul.u32 $0x38, v61;
	v13 =	vadd.s32 v0, v60;
	_ =	sdelay $0x1  }
0x120: {  	v14 =	vadd.s32 v12, v14  }
0x121: {  	v14 =	vbroadcast v14, $0x0  }
0x122: {  	s25 =	sor.u32 $0x70, s1;
	[tilespmem:$0x7040] =	vst v10  }
0x123: {  	v63 =	vmov s25;
	v62 =	vor.u32 v11, v14;
	v10 =	vld.idx.msk [tilespmem:v13+s3+$0x0], $0xffff  }
0x124: {  	v14 =	vmul.u32 $0x38, v63;
	v13 =	vadd.s32 v0, v62;
	_ =	sdelay $0x1  }
0x125: {  	v12 =	vadd.s32 v12, v14  }
0x126: {  	v12 =	vbroadcast v12, $0x0  }
0x127: {  	[tilespmem:$0x7050] =	vst v10  }
0x128: {  	v11 =	vor.u32 v11, v12;
	v10 =	vld.idx.msk [tilespmem:v13+s3+$0x0], $0xffff  }
0x129: {  	v11 =	vadd.s32 v0, v11;
	_ =	sdelay $0x3  }
0x12a: {  	[tilespmem:$0x7060] =	vst v10  }
0x12b: {  	v10 =	vld.idx.msk [tilespmem:v11+s3+$0x0], $0xffff;
	_ =	sdelay $0x4  }
0x12c: {  	s30 =	simm.s32 $0x7100;
	[tilespmem:$0x7070] =	vst v10  }
0x12d: {  	[tilespmem:s30], [sflag:$0x1] =	stream.indirect.gather [hbm4b:s4+s10], $0x20, s11, s10, $0xb8;
	[tilespmem:$0xD100] =	vst v63  }
0x12e: {  	s31 =	simm.s32 $0x9100  }
0x12f: {  	[tilespmem:s31], [sflag:$0x3] =	stream.indirect.gather [hbm4b:s5+s10], $0x20, s11, s10, $0xb8;
	[tilespmem:$0xD100] =	vst v63  }
.LBB2_6:
0x130: {  	_ =	swait.ge [sflag:s22], $0x1000  }
0x131: {  	[sflag:s22] =	ssyncset.done $0x0  }
0x132: {  	[sflag:s22] =	ssyncadd.s32 $0xFFFFF000  }
0x133: {  	_ =	swait.ge [sflag:s23], $0x1000  }
0x134: {  	[sflag:s23] =	ssyncset.done $0x0  }
0x135: {  	s1 =	simm.s32 $0x8120;
	[sflag:s23] =	ssyncadd.s32 $0xFFFFF000  }
0x136: {  	s0 =	simm.s32 $0xA120;
	v10 =	vld [tilespmem:s1+$0x0]  }
0x137: {  	v11 =	vld [tilespmem:s0+$0x0];
	_ =	sdelay $0x4  }
0x138: {  	v12 =	vsub.f32 v10, v11;
	_ =	sdelay $0x1  }
0x139: {  	v12 =	vmul.f32 $9.999999770e-03, v12;
	_ =	sdelay $0x1  }
0x13a: {  	v11 =	vadd.f32 v12, v11  }
0x13b: {  	v13 =	vld [tilespmem:s0+$0xFFFFFFE0]  }
0x13c: {  	v12 =	vld [tilespmem:s1+$0xFFFFFFE0];
	v14 =	vmul.f32 v11, v10;
	_ =	sdelay $0x1  }
0x13d: {  	v14 =	vand.u32 $0x7FFFFFFF, v14  }
0x13e: {  	v15 =	vshrl.u32 v14, $0x1;
	v16 =	vmul.f32 $5.000000000e-01, v14  }
0x13f: {  	v15 =	vsub.s32 $0x5F3759DF, v15  }
0x140: {  	v17 =	vsub.f32 v12, v13;
	v16 =	vmul.f32 v15, v16  }
0x141: {  	s6 =	simm.s32 $0x1  }
0x142: {  	v18 =	vmov s6;
	v17 =	vmul.f32 $9.999999770e-03, v17;
	v16 =	vmul.f32 v15, v16  }
0x143: {  	v18 =	vand.u32 $0x7F, v18  }
0x144: {  	v13 =	vadd.f32 v17, v13;
	v17 =	vbroadcast v18, $0x0;
	v16 =	vsub.f32 $1.500000000e+00, v16;
	_ =	sdelay $0x1  }
0x145: {  	v18 =	vmul.f32 v13, v12;
	v15 =	vmul.f32 v15, v16;
	v16 =	vor.u32 v3, v17  }
0x146: {  	s8 =	simm.s32 $0xA160;
	v10 =	vadd.f32 v11, v10  }
0x147: {  	s31 =	simm.s32 $0x8160;
	v20 =	vld [tilespmem:s8+$0x0];
	v11 =	vand.u32 $0x7FFFFFFF, v18;
	v14 =	vmul.f32 v15, v14  }
0x148: {  	v10 =	vand.u32 $0x80000000, v10;
	v18 =	vld [tilespmem:s31+$0x0];
	v19 =	vmul.f32 $5.000000000e-01, v11;
	v15 =	vshrl.u32 v11, $0x1  }
0x149: {  	v21 =	vld [tilespmem:s31+$0xFFFFFFE0];
	v15 =	vsub.s32 $0x5F3759DF, v15;
	v10 =	vxor.u32 v14, v10  }
0x14a: {  	v14 =	vmul.f32 v15, v19;
	v19 =	vld [tilespmem:s8+$0xFFFFFFE0];
	[tilespmem:v16+s24+$0x0] =	vst.idx.msk $0xffff, v10  }
0x14b: {  	s12 =	simm.s32 $0x0;
	v16 =	vld [tilespmem:s1+$0x10]  }
0x14c: {  	v10 =	vmov s12;
	v14 =	vmul.f32 v15, v14;
	v22 =	vld [tilespmem:s0+$0x10]  }
0x14d: {  	v23 =	vsub.f32 v18, v20;
	v10 =	vand.u32 $0x7E, v10  }
0x14e: {  	v24 =	vbroadcast v10, $0x0;
	v10 =	vsub.f32 $1.500000000e+00, v14  }
0x14f: {  	v23 =	vmul.f32 $9.999999770e-03, v23;
	v14 =	vsub.f32 v21, v19  }
0x150: {  	v12 =	vadd.f32 v13, v12;
	v25 =	vor.u32 v3, v24;
	v10 =	vmul.f32 v15, v10  }
0x151: {  	v13 =	vmul.f32 $9.999999770e-03, v14;
	v14 =	vadd.f32 v23, v20;
	v15 =	vsub.f32 v16, v22  }
0x152: {  	v12 =	vand.u32 $0x80000000, v12;
	v10 =	vmul.f32 v10, v11  }
0x153: {  	s13 =	simm.s32 $0x2;
	s25 =	simm.s32 $0x3;
	v11 =	vadd.f32 v13, v19;
	v13 =	vmul.f32 v14, v18;
	v15 =	vmul.f32 $9.999999770e-03, v15  }
0x154: {  	v28 =	vmov s25;
	v19 =	vmov s13;
	v10 =	vxor.u32 v10, v12  }
0x155: {  	v12 =	vmul.f32 v11, v21;
	v13 =	vand.u32 $0x7FFFFFFF, v13;
	v15 =	vadd.f32 v15, v22  }
0x156: {  	[tilespmem:v25+s24+$0x0] =	vst.idx.msk $0xffff, v10;
	v10 =	vand.u32 $0x7E, v19;
	v19 =	vshrl.u32 v13, $0x1;
	v20 =	vmul.f32 $5.000000000e-01, v13  }
0x157: {  	v22 =	vld [tilespmem:s1+$0xFFFFFFF0];
	v12 =	vand.u32 $0x7FFFFFFF, v12;
	v19 =	vsub.s32 $0x5F3759DF, v19;
	v23 =	vmul.f32 v15, v16  }
0x158: {  	v28 =	vand.u32 $0x7F, v28;
	v25 =	vld [tilespmem:s0+$0xFFFFFFF0];
	v26 =	vshrl.u32 v12, $0x1;
	v20 =	vmul.f32 v19, v20  }
0x159: {  	v27 =	vmul.f32 $5.000000000e-01, v12;
	v26 =	vsub.s32 $0x5F3759DF, v26;
	v23 =	vand.u32 $0x7FFFFFFF, v23  }
0x15a: {  	v20 =	vmul.f32 v19, v20;
	v29 =	vshrl.u32 v23, $0x1;
	v30 =	vmul.f32 $5.000000000e-01, v23  }
0x15b: {  	v32 =	vbroadcast v28, $0x0;
	s0 =	simm.s32 $0x81A0;
	v27 =	vmul.f32 v26, v27;
	v29 =	vsub.s32 $0x5F3759DF, v29  }
0x15c: {  	v14 =	vadd.f32 v14, v18;
	s1 =	simm.s32 $0xA1A0;
	v28 =	vld [tilespmem:s0+$0x0];
	v20 =	vsub.f32 $1.500000000e+00, v20;
	v30 =	vmul.f32 v29, v30  }
0x15d: {  	v11 =	vadd.f32 v11, v21;
	v34 =	vld [tilespmem:s1+$0x0];
	v33 =	vsub.f32 v22, v25;
	v27 =	vmul.f32 v26, v27  }
0x15e: {  	v19 =	vmul.f32 v19, v20;
	v20 =	vor.u32 v3, v32;
	v30 =	vmul.f32 v29, v30  }
0x15f: {  	v14 =	vand.u32 $0x80000000, v14;
	v33 =	vmul.f32 $9.999999770e-03, v33;
	v18 =	vsub.f32 $1.500000000e+00, v27  }
0x160: {  	v10 =	vbroadcast v10, $0x0;
	v13 =	vmul.f32 v19, v13;
	v21 =	vsub.f32 $1.500000000e+00, v30  }
0x161: {  	v27 =	vor.u32 v9, v17;
	v17 =	vld [tilespmem:s1+$0xFFFFFFE0];
	v19 =	vadd.f32 v33, v25;
	v18 =	vmul.f32 v26, v18  }
0x162: {  	v25 =	vld [tilespmem:s0+$0xFFFFFFE0];
	v13 =	vxor.u32 v13, v14;
	v14 =	vsub.f32 v28, v34;
	v21 =	vmul.f32 v29, v21  }
0x163: {  	s30 =	simm.s32 $0x4;
	v11 =	vand.u32 $0x80000000, v11;
	v12 =	vmul.f32 v18, v12;
	v18 =	vmul.f32 v19, v22;
	[tilespmem:v20+s24+$0x0] =	vst.idx.msk $0xffff, v13  }
0x164: {  	v15 =	vadd.f32 v15, v16;
	v16 =	vmov s30;
	v31 =	vor.u32 v3, v10;
	v13 =	vld [tilespmem:s31+$0x10]  }
0x165: {  	v14 =	vmul.f32 $9.999999770e-03, v14;
	v20 =	vmul.f32 v21, v23;
	v21 =	vld [tilespmem:s8+$0x10];
	v23 =	vand.u32 $0x7FFFFFFF, v18  }
0x166: {  	v15 =	vand.u32 $0x80000000, v15;
	v11 =	vxor.u32 v12, v11;
	v12 =	vshrl.u32 v23, $0x1  }
0x167: {  	v14 =	vadd.f32 v14, v34;
	v30 =	vxor.u32 v20, v15;
	v15 =	vsub.f32 v25, v17  }
0x168: {  	v19 =	vadd.f32 v19, v22;
	v20 =	vmul.f32 $5.000000000e-01, v23;
	v29 =	vsub.s32 $0x5F3759DF, v12  }
0x169: {  	v12 =	vand.u32 $0x7E, v16;
	v18 =	vmul.f32 v14, v28;
	v15 =	vmul.f32 $9.999999770e-03, v15  }
0x16a: {  	[tilespmem:v31+s24+$0x0] =	vst.idx.msk $0xffff, v11;
	v11 =	vbroadcast v12, $0x0;
	v12 =	vor.u32 v9, v24;
	v16 =	vsub.f32 v13, v21  }
0x16b: {  	v37 =	vadd.f32 v14, v28;
	v60 =	vand.u32 $0x7FFFFFFF, v18;
	v26 =	vadd.f32 v15, v17  }
0x16c: {  	v18 =	vmul.f32 v29, v20;
	v20 =	vshrl.u32 v60, $0x1;
	v16 =	vmul.f32 $9.999999770e-03, v16  }
0x16d: {  	v22 =	vmul.f32 $5.000000000e-01, v60;
	v61 =	vsub.s32 $0x5F3759DF, v20;
	v20 =	vmul.f32 v26, v25  }
0x16e: {  	v15 =	vand.u32 $0x80000000, v19;
	v31 =	vmul.f32 v29, v18;
	v17 =	vadd.f32 v16, v21  }
0x16f: {  	v24 =	vadd.f32 v26, v25;
	v19 =	vmul.f32 v61, v22;
	v16 =	vld [tilespmem:s31+$0xFFFFFFF0];
	v22 =	vand.u32 $0x7FFFFFFF, v20  }
0x170: {  	v21 =	vld [tilespmem:s8+$0xFFFFFFF0];
	v31 =	vsub.f32 $1.500000000e+00, v31;
	v20 =	vmul.f32 v17, v13;
	v25 =	vshrl.u32 v22, $0x1  }
0x171: {  	s31 =	simm.s32 $0x5;
	v19 =	vmul.f32 v61, v19;
	v26 =	vmul.f32 $5.000000000e-01, v22;
	v35 =	vsub.s32 $0x5F3759DF, v25  }
0x172: {  	v25 =	vmov s31;
	v31 =	vmul.f32 v29, v31;
	v20 =	vand.u32 $0x7FFFFFFF, v20  }
0x173: {  	v19 =	vsub.f32 $1.500000000e+00, v19;
	v36 =	vshrl.u32 v20, $0x1;
	v62 =	vmul.f32 $5.000000000e-01, v20  }
0x174: {  	v26 =	vmul.f32 v35, v26;
	v14 =	vand.u32 $0x7F, v25;
	v36 =	vsub.s32 $0x5F3759DF, v36  }
0x175: {  	v28 =	vsub.f32 v16, v21;
	v14 =	vbroadcast v14, $0x0;
	v25 =	vmul.f32 v36, v62  }
0x176: {  	v19 =	vmul.f32 v61, v19;
	v63 =	vmul.f32 v35, v26;
	v26 =	vand.u32 $0x80000000, v24  }
0x177: {  	v24 =	vmul.f32 $9.999999770e-03, v28;
	v29 =	vor.u32 v3, v14;
	v28 =	vmul.f32 v36, v25  }
0x178: {  	[tilespmem:v27+s24+$0x0] =	vst.idx.msk $0xffff, v30;
	v27 =	vand.u32 $0x80000000, v37;
	s8 =	simm.s32 $0x81E0;
	v34 =	vsub.f32 $1.500000000e+00, v63  }
0x179: {  	s6 =	simm.s32 $0xA1E0;
	v33 =	vmul.f32 v19, v60;
	v19 =	vld [tilespmem:s8+$0x0];
	v25 =	vadd.f32 v24, v21;
	v21 =	vsub.f32 $1.500000000e+00, v28  }
0x17a: {  	v18 =	vor.u32 v3, v11;
	v24 =	vmul.f32 v31, v23;
	v30 =	vmul.f32 v35, v34;
	v28 =	vld [tilespmem:s6+$0x0]  }
0x17b: {  	s25 =	simm.s32 $0x6;
	s12 =	simm.s32 $0x8;
	v23 =	vld [tilespmem:s8+$0xFFFFFFE0];
	v31 =	vxor.u32 v33, v27;
	v27 =	vmul.f32 v36, v21;
	v21 =	vor.u32 v9, v32  }
.LBB2_7:
0x17c: {  	p0 =	slt.u32 s12, $0x7E;
	v32 =	vmov s25;
	v33 =	vld [tilespmem:s6+$0xFFFFFFE0];
	v22 =	vmul.f32 v30, v22;
	[tilespmem:v29+s24+$0x0] =	vst.idx.msk $0xffff, v31;
	v17 =	vadd.f32 v17, v13  }
0x17d: {  	v29 =	vmul.f32 v25, v16;
	v25 =	vadd.f32 v25, v16;
	v13 =	vld [tilespmem:s0+$0x10];
	v16 =	vmul.f32 v27, v20  }
0x17e: {  	v24 =	vxor.u32 v24, v15;
	v20 =	vxor.u32 v22, v26;
	v22 =	vld [tilespmem:s1+$0x10];
	v17 =	vand.u32 $0x80000000, v17  }
0x17f: {  	v27 =	vand.u32 $0x7FFFFFFF, v29;
	v26 =	vsub.f32 v19, v28;
	[tilespmem:v18+s24+$0x0] =	vst.idx.msk $0xffff, v20;
	v17 =	vxor.u32 v16, v17  }
0x180: {  	v15 =	vand.u32 $0x80000000, v25;
	v18 =	vshrl.u32 v27, $0x1;
	v20 =	vmul.f32 $5.000000000e-01, v27;
	v16 =	vld [tilespmem:s0+$0xFFFFFFF0];
	[tilespmem:v21+s24+$0x0] =	vst.idx.msk $0xffff, v17;
	s0 =	smov.u32 s8  }
0x181: {  	v30 =	vsub.s32 $0x5F3759DF, v18;
	v17 =	vsub.f32 v23, v33;
	v21 =	vmul.f32 $9.999999770e-03, v26;
	v25 =	vld [tilespmem:s1+$0xFFFFFFF0];
	[tilespmem:v12+s24+$0x0] =	vst.idx.msk $0xffff, v24;
	s1 =	smov.u32 s6  }
0x182: {  	v18 =	vand.u32 $0x7E, v32;
	v12 =	vmul.f32 v30, v20  }
0x183: {  	v17 =	vmul.f32 $9.999999770e-03, v17;
	v21 =	vadd.f32 v21, v28;
	v20 =	vsub.f32 v13, v22  }
0x184: {  	v24 =	vmul.f32 v30, v12;
	v12 =	vor.u32 v9, v10;
	v10 =	vmovc v11;
	v11 =	vbroadcast v18, $0x0  }
0x185: {  	v26 =	vadd.f32 v17, v33;
	v17 =	vmul.f32 v21, v19;
	v20 =	vmul.f32 $9.999999770e-03, v20  }
0x186: {  	v18 =	vor.u32 v3, v11;
	v24 =	vsub.f32 $1.500000000e+00, v24;
	v28 =	vsub.f32 v16, v25  }
0x187: {  	v29 =	vmul.f32 v26, v23;
	v31 =	vand.u32 $0x7FFFFFFF, v17;
	v17 =	vadd.f32 v20, v22  }
0x188: {  	v23 =	vadd.f32 v26, v23;
	v20 =	vshrl.u32 v31, $0x1;
	v26 =	vmul.f32 $5.000000000e-01, v31  }
0x189: {  	v22 =	vand.u32 $0x7FFFFFFF, v29;
	v29 =	vsub.s32 $0x5F3759DF, v20;
	v20 =	vmul.f32 v17, v13  }
0x18a: {  	s13 =	sadd.s32 $0x1, s25;
	s25 =	smov.u32 s12;
	v32 =	vshrl.u32 v22, $0x1;
	v33 =	vmul.f32 $5.000000000e-01, v22;
	v26 =	vmul.f32 v29, v26  }
0x18b: {  	v34 =	vmov s13;
	v32 =	vsub.s32 $0x5F3759DF, v32;
	v20 =	vand.u32 $0x7FFFFFFF, v20  }
0x18c: {  	v26 =	vmul.f32 v29, v26;
	v35 =	vshrl.u32 v20, $0x1;
	v36 =	vmul.f32 $5.000000000e-01, v20  }
0x18d: {  	v34 =	vand.u32 $0x7F, v34;
	v33 =	vmul.f32 v32, v33;
	v35 =	vsub.s32 $0x5F3759DF, v35  }
0x18e: {  	v34 =	vbroadcast v34, $0x0;
	v37 =	vsub.f32 $1.500000000e+00, v26;
	v36 =	vmul.f32 v35, v36  }
0x18f: {  	v33 =	vmul.f32 v32, v33;
	v26 =	vand.u32 $0x80000000, v23;
	v23 =	vmul.f32 $9.999999770e-03, v28  }
.Ltmp2:
0x190: {  	v28 =	vmul.f32 v29, v37;
	v29 =	vor.u32 v3, v34;
	v36 =	vmul.f32 v35, v36;
	(pc) =	sbr.rel @p0 .LBB2_7-.Ltmp2, $4  }
0x191: {  	s8 =	sadd.s32 $0x40, s8;
	v21 =	vadd.f32 v21, v19;
	v24 =	vmul.f32 v30, v24;
	v33 =	vsub.f32 $1.500000000e+00, v33  }
0x192: {  	s6 =	sadd.s32 $0x40, s6;
	v25 =	vadd.f32 v23, v25;
	v19 =	vld [tilespmem:s8+$0x0];
	v31 =	vmul.f32 v28, v31;
	v36 =	vsub.f32 $1.500000000e+00, v36  }
0x193: {  	v21 =	vand.u32 $0x80000000, v21;
	v24 =	vmul.f32 v24, v27;
	v30 =	vmul.f32 v32, v33;
	v28 =	vld [tilespmem:s6+$0x0]  }
0x194: {  	s12 =	sadd.s32 $0x2, s12;
	v23 =	vld [tilespmem:s8+$0xFFFFFFE0];
	v31 =	vxor.u32 v31, v21;
	v27 =	vmul.f32 v35, v36;
	v21 =	vor.u32 v9, v14;
	v14 =	vmovc v34  }
0x195: {  	v32 =	vld [tilespmem:s6+$0xFFFFFFE0];
	_ =	sdelay $0x2  }
0x196: {  	v33 =	vsub.f32 v19, v28;
	_ =	sdelay $0x1  }
0x197: {  	v34 =	vsub.f32 v23, v32;
	v33 =	vmul.f32 $9.999999770e-03, v33;
	_ =	sdelay $0x1  }
0x198: {  	v34 =	vmul.f32 $9.999999770e-03, v34;
	v55 =	vadd.f32 v33, v28;
	_ =	sdelay $0x1  }
0x199: {  	v32 =	vadd.f32 v34, v32;
	v33 =	vmul.f32 v55, v19;
	_ =	sdelay $0x1  }
0x19a: {  	v34 =	vmul.f32 v32, v23;
	v33 =	vand.u32 $0x7FFFFFFF, v33  }
0x19b: {  	v35 =	vshrl.u32 v33, $0x1;
	v36 =	vmul.f32 $5.000000000e-01, v33  }
0x19c: {  	v34 =	vand.u32 $0x7FFFFFFF, v34;
	v35 =	vsub.s32 $0x5F3759DF, v35  }
0x19d: {  	[tilespmem:v29+s24+$0x0] =	vst.idx.msk $0xffff, v31;
	v56 =	vshrl.u32 v34, $0x1;
	v57 =	vmul.f32 $5.000000000e-01, v34;
	v36 =	vmul.f32 v35, v36  }
0x19e: {  	v37 =	vmov s25;
	s12 =	sadd.s32 $0x1, s25;
	v38 =	vld [tilespmem:s0+$0x10];
	v29 =	vsub.s32 $0x5F3759DF, v56  }
0x19f: {  	v39 =	vld [tilespmem:s1+$0x10];
	v40 =	vmov s12;
	v36 =	vmul.f32 v35, v36;
	v31 =	vmul.f32 v29, v57  }
0x1a0: {  	v22 =	vmul.f32 v30, v22;
	v37 =	vand.u32 $0x7E, v37;
	v40 =	vand.u32 $0x7F, v40  }
0x1a1: {  	v40 =	vbroadcast v40, $0x0;
	v36 =	vsub.f32 $1.500000000e+00, v36;
	v31 =	vmul.f32 v29, v31  }
0x1a2: {  	v30 =	vbroadcast v37, $0x0;
	v22 =	vxor.u32 v22, v26  }
0x1a3: {  	[tilespmem:v18+s24+$0x0] =	vst.idx.msk $0xffff, v22;
	v58 =	vor.u32 v3, v40;
	v35 =	vmul.f32 v35, v36;
	v31 =	vsub.f32 $1.500000000e+00, v31  }
0x1a4: {  	v26 =	vld [tilespmem:s0+$0xFFFFFFF0];
	v60 =	vsub.f32 v38, v39;
	v59 =	vadd.f32 v55, v19  }
0x1a5: {  	v62 =	vor.u32 v3, v30;
	v37 =	vld [tilespmem:s1+$0xFFFFFFF0];
	v61 =	vmul.f32 v35, v33;
	v29 =	vmul.f32 v29, v31  }
0x1a6: {  	v63 =	vmul.f32 $9.999999770e-03, v60;
	v32 =	vadd.f32 v32, v23;
	v19 =	vand.u32 $0x80000000, v59  }
0x1a7: {  	v19 =	vxor.u32 v61, v19;
	v35 =	vmul.f32 v29, v34  }
0x1a8: {  	v18 =	vadd.f32 v63, v39;
	v22 =	vand.u32 $0x80000000, v32;
	[tilespmem:v58+s24+$0x0] =	vst.idx.msk $0xffff, v19  }
0x1a9: {  	v13 =	vadd.f32 v17, v13;
	v23 =	vld [tilespmem:s8+$0x10];
	v22 =	vxor.u32 v35, v22  }
0x1aa: {  	v51 =	vsub.f32 v26, v37;
	v43 =	vmul.f32 v18, v38;
	v44 =	vld [tilespmem:s6+$0x10];
	[tilespmem:v62+s24+$0x0] =	vst.idx.msk $0xffff, v22  }
0x1ab: {  	v49 =	vadd.f32 v25, v16;
	v15 =	vxor.u32 v24, v15;
	v10 =	vor.u32 v9, v10;
	v28 =	vld [tilespmem:s8+$0xFFFFFFF0]  }
0x1ac: {  	v54 =	vmul.f32 $9.999999770e-03, v51;
	v47 =	vand.u32 $0x7FFFFFFF, v43;
	v33 =	vmul.f32 v25, v16;
	v48 =	vld [tilespmem:s6+$0xFFFFFFF0]  }
0x1ad: {  	v20 =	vmul.f32 v27, v20;
	v13 =	vand.u32 $0x80000000, v13;
	v50 =	vshrl.u32 v47, $0x1  }
0x1ae: {  	v56 =	vadd.f32 v54, v37;
	v39 =	vand.u32 $0x7FFFFFFF, v33;
	v33 =	vmul.f32 $5.000000000e-01, v47  }
0x1af: {  	v25 =	vsub.s32 $0x5F3759DF, v50;
	v41 =	vshrl.u32 v39, $0x1;
	v42 =	vmul.f32 $5.000000000e-01, v39  }
0x1b0: {  	v45 =	vsub.s32 $0x5F3759DF, v41;
	v52 =	vmul.f32 v25, v33;
	v53 =	vsub.f32 v23, v44  }
0x1b1: {  	v60 =	vmul.f32 v56, v26;
	v46 =	vmul.f32 v45, v42;
	v55 =	vsub.f32 v28, v48  }
0x1b2: {  	v13 =	vxor.u32 v20, v13;
	v27 =	vmul.f32 v25, v52;
	v33 =	vmul.f32 $9.999999770e-03, v53  }
0x1b3: {  	v19 =	vand.u32 $0x7FFFFFFF, v60;
	v17 =	vmul.f32 v45, v46;
	v59 =	vmul.f32 $9.999999770e-03, v55  }
0x1b4: {  	v41 =	vshrl.u32 v19, $0x1;
	v57 =	vsub.f32 $1.500000000e+00, v27;
	v58 =	vadd.f32 v33, v44  }
0x1b5: {  	v42 =	vmul.f32 $5.000000000e-01, v19;
	v17 =	vsub.f32 $1.500000000e+00, v17;
	v63 =	vadd.f32 v59, v48  }
0x1b6: {  	v22 =	vadd.f32 v56, v26;
	v61 =	vmul.f32 v25, v57;
	v62 =	vmul.f32 v58, v23  }
0x1b7: {  	v26 =	vsub.s32 $0x5F3759DF, v41;
	v17 =	vmul.f32 v45, v17;
	v29 =	vmul.f32 v63, v28  }
0x1b8: {  	v20 =	vmul.f32 v61, v47;
	v47 =	vmul.f32 v26, v42;
	v24 =	vand.u32 $0x7FFFFFFF, v62  }
0x1b9: {  	v43 =	vshrl.u32 v24, $0x1;
	v44 =	vmul.f32 $5.000000000e-01, v24;
	v29 =	vand.u32 $0x7FFFFFFF, v29  }
0x1ba: {  	v33 =	vsub.s32 $0x5F3759DF, v43;
	v45 =	vshrl.u32 v29, $0x1;
	v46 =	vmul.f32 $5.000000000e-01, v29  }
0x1bb: {  	v18 =	vadd.f32 v18, v38;
	v34 =	vmul.f32 v33, v44;
	v48 =	vsub.s32 $0x5F3759DF, v45  }
0x1bc: {  	v14 =	vor.u32 v9, v14;
	v31 =	vmul.f32 v26, v47;
	v35 =	vmul.f32 v48, v46  }
0x1bd: {  	v11 =	vor.u32 v9, v11;
	v18 =	vand.u32 $0x80000000, v18;
	v34 =	vmul.f32 v33, v34  }
0x1be: {  	v17 =	vmul.f32 v17, v39;
	v51 =	vsub.f32 $1.500000000e+00, v31;
	v35 =	vmul.f32 v48, v35  }
0x1bf: {  	[tilespmem:v12+s24+$0x0] =	vst.idx.msk $0xffff, v15;
	v16 =	vand.u32 $0x80000000, v49;
	v56 =	vor.u32 v9, v30;
	v34 =	vsub.f32 $1.500000000e+00, v34  }
0x1c0: {  	[tilespmem:v21+s24+$0x0] =	vst.idx.msk $0xffff, v13;
	v49 =	vxor.u32 v17, v16;
	v17 =	vmul.f32 v26, v51;
	v54 =	vsub.f32 $1.500000000e+00, v35  }
0x1c1: {  	v53 =	vor.u32 v9, v40;
	v50 =	vxor.u32 v20, v18;
	v52 =	vmul.f32 v33, v34  }
0x1c2: {  	v55 =	vadd.f32 v58, v23;
	v57 =	vmul.f32 v17, v19;
	v18 =	vmul.f32 v48, v54  }
0x1c3: {  	v60 =	vand.u32 $0x80000000, v22;
	[tilespmem:v14+s24+$0x0] =	vst.idx.msk $0xffff, v50;
	v58 =	vadd.f32 v63, v28;
	v12 =	vmul.f32 v52, v24  }
0x1c4: {  	s31 =	sshll.u32 s28, $0x13;
	[tilespmem:v10+s24+$0x0] =	vst.idx.msk $0xffff, v49;
	v59 =	vand.u32 $0x80000000, v55;
	v62 =	vxor.u32 v57, v60;
	v61 =	vmul.f32 v18, v29  }
0x1c5: {  	s26 =	sadd.s32 $0x1, s26;
	s0 =	sor.u32 s29, s31;
	v63 =	vand.u32 $0x80000000, v58;
	[tilespmem:v11+s24+$0x0] =	vst.idx.msk $0xffff, v62;
	v10 =	vxor.u32 v12, v59  }
0x1c6: {  	p0 =	sne.s32 s26, $0x64;
	s0 =	sshrl.u32 s0, $0x3;
	[tilespmem:v53+s24+$0x0] =	vst.idx.msk $0xffff, v10;
	v10 =	vxor.u32 v61, v63  }
.Ltmp3:
0x1c7: {  	s0 =	sadd.s32 s2, s0;
	[tilespmem:v56+s24+$0x0] =	vst.idx.msk $0xffff, v10;
	(pc) =	sbr.rel @p0 .LBB2_2-.Ltmp3, $4  }
0x1c8: {  	[hbm4b:s0+s20] =	stream.strided.scatter [tilespmem:s24], [sflag:$0x5], $0x1000, s21, s20, $0x38;
	[tilespmem:$0xD100] =	vst v63  }
0x1c9: {  	_ =	swait.ge [sflag:s9], $0x1000  }
0x1ca: {  	[sflag:s9] =	ssyncset.done $0x0  }
0x1cb: {  	[sflag:s9] =	ssyncadd.s32 $0xFFFFF000  }
0x1cc: {  	s1 =	rddreg [dreg:$0x5]  }
0x1cd: {  	s0 =	rddreg [dreg:$0x4];
	s1 =	sadd.s32 $0x1, s1  }
0x1ce: {  	p0 =	sne.s32 s1, s0  }
.Ltmp4:
0x1cf: {  	_ = 	snop;
	(pc) =	sbr.rel @p0 .LBB2_1-.Ltmp4, $1  }
0x1d0: {  	_ =	sdelay $0x3  }
0x1d1: {  	_ =	sfence.sel $0x180000  }
0x1d2: {  	[bflag:$0x0] =	sbarrier.arrive $0xFFFF  }
0x1d3: {  	_ =	strace $0x90000047  }
0x1d4: {  	s0 =	stileid.u32;
	[bflag:$0x2] =	sbarrier.arrive $0xFFFF  }
0x1d5: {  	p0 =	sne.s32 s0, $0x0;
	s0 =	rddreg [dreg:$0x2]  }
0x1d6: {  	s0 =	sadd.s32 @!p0 $0x100000, s0  }
0x1d7: {  	[sflag:s0] =	ssyncadd.tile.s32 @!p0 $0x1;
	_ =	shalt  }
.Lfunc_end2:
_tile_overlayer_lowered:
.L_overlay_start_2:
0x1d8: {  	(tag) =	ssettag $0x2  }
0x1d9: {  	s0 =	rddreg [dreg:$0x0];
	s2 =	stileid.u32  }
0x1da: {  	s1 =	rddreg [dreg:$0x1];
	p0 =	sne.s32 s2, $0x0  }
0x1db: {  	s3 =	rddreg [dreg:$0x2];
	[bflag:$0x3] =	sbarrier.arrive $0xFFFF;
	s2 =	simm.s32 @!p0 $0x1C05  }
0x1dc: {  	[timem:s3], [sflag:s2] =	dma.local @!p0 [hbm:s0], s1  }
0x1dd: {  	s0 =	simm.s32 @!p0 $0x5  }
0x1de: {  	_ =	swait.ge @!p0 [sflag:s0], s1  }
0x1df: {  	s1 =	ssub.s32 @!p0 $0x0, s1;
	[sflag:s0] =	ssyncset.done @!p0 $0x0  }
0x1e0: {  	[sflag:s0] =	ssyncadd.s32 @!p0 s1  }
0x1e1: {  	[bflag:$0x3] =	sbarrier.arrive $0xFFFF  }
0x1e2: {  	_ =	shalt  }

</sc_bundles>
